<compile_context>
chip_gen: v7x
topology: tpu7x:2x2x1
jax: 0.10.2.dev20260603
libtpu: 0.0.44.dev20260713+nightly
codegen_flags: <defaults>
</compile_context>

<pallas_src>
import functools

import jax
import jax.numpy as jnp
from jax import lax
from jax.experimental import pallas as pl
from jax.experimental.pallas import tpu as pltpu
from jax.experimental.pallas import tpu_sc as plsc

_B = 128
_D = 512
_N = _B * _D
_K = 2048
_NC = 2
_NS = 16
_L = 16
_NW = _NC * _NS
_EPW = _N // _NW
_ROWS = _EPW // _D


@functools.partial(
    pl.kernel,
    out_type=(
        jax.ShapeDtypeStruct((_B, _D), jnp.float32),
        jax.ShapeDtypeStruct((_NW, _L), jnp.float32),
    ),
    mesh=plsc.VectorSubcoreMesh(core_axis_name="c", subcore_axis_name="s",
                                num_cores=_NC, num_subcores=_NS),
    compiler_params=pltpu.CompilerParams(needs_layout_passes=False),
    scratch_types=[
        pltpu.VMEM((_K,), jnp.float32),
        pltpu.VMEM((_ROWS, _D), jnp.float32),
        pltpu.VMEM((_ROWS, _D), jnp.float32),
        pltpu.VMEM((_L,), jnp.float32),
        pltpu.SemaphoreType.DMA,
        pltpu.SemaphoreType.DMA,
    ],
)
def _vq_snap(x_hbm, emb_hbm, out_hbm, sq_hbm, emb_v, x_v, o_v, acc_v,
             emb_sem, x_sem):
    cid = lax.axis_index("c")
    sid = lax.axis_index("s")
    wid = sid * _NC + cid
    lanes = lax.iota(jnp.int32, _L)

    row0 = wid * _ROWS
    with jax.named_scope("x_dma"):
        emb_cp = pltpu.async_copy(emb_hbm.at[0], emb_v, emb_sem)
        x_cp = pltpu.async_copy(x_hbm.at[pl.ds(row0, _ROWS)], x_v, x_sem)
        emb_cp.wait()

    with jax.named_scope("minmax"):
        def mm(jv, carry):
            lo, hi = carry
            cjv = emb_v[pl.ds(jv * _L, _L)]
            return jnp.minimum(lo, cjv), jnp.maximum(hi, cjv)

        lo, hi = lax.fori_loop(
            0, _K // _L, mm,
            (jnp.full((_L,), jnp.inf, jnp.float32),
             jnp.full((_L,), -jnp.inf, jnp.float32)))
        smin = jnp.full((_L,), jnp.min(lo))
        smax = jnp.full((_L,), jnp.max(hi))
    x_cp.wait()

    def brute_lane(xv, l_splat, lc):
        xb = jnp.take_along_axis(xv, l_splat, axis=0)

        def scan_codes(jv, carry):
            dmin, val, idx = carry
            cjv = emb_v[pl.ds(jv * _L, _L)]
            d = (cjv - xb) * (cjv - xb)
            p = d < dmin
            jvec = jv * _L + lanes
            return (jnp.where(p, d, dmin), jnp.where(p, cjv, val),
                    jnp.where(p, jvec, idx))

        big = jnp.full((_L,), 3.4e38, jnp.float32)
        dmin, val, idx = lax.fori_loop(
            0, _K // _L, scan_codes,
            (big, jnp.zeros((_L,), jnp.float32),
             jnp.zeros((_L,), jnp.int32)))
        g = jnp.min(dmin)
        cand = jnp.where(dmin == g, idx, _K)
        bi = jnp.min(cand)
        value = jnp.max(jnp.where(cand == bi, val, -3.4e38))
        return jnp.where(lanes == l_splat, value, lc)

    def slow_path(xv, out_m, lc0):
        def cond(carry):
            in_m, _ = carry
            return plsc.all_reduce_population_count(in_m)[0] > 0

        def body(carry):
            in_m, lc = carry
            l_splat = plsc.all_reduce_ffs(in_m)
            lc = brute_lane(xv, l_splat, lc)
            return in_m & (lanes != l_splat), lc

        _, lc = lax.while_loop(cond, body, (~out_m, lc0))
        return lc

    with jax.named_scope("search_phase"):
        vregs_per_row = _D // _L
        _G = 4

        @plsc.parallel_loop(0, _EPW // _L // _G, unroll=2,
                            carry=jnp.zeros((_L,), jnp.float32))
        def acc(g, a):
            r = g // (vregs_per_row // _G)
            col0 = (g % (vregs_per_row // _G)) * (_G * _L)
            xs, his, outs = [], [], []
            all_out = None
            for u in range(_G):
                xv = x_v[r, pl.ds(col0 + u * _L, _L)]
                hi_m = xv >= smax
                out_m = (xv <= smin) | hi_m
                xs.append(xv)
                his.append(hi_m)
                outs.append(out_m)
                all_out = out_m if all_out is None else (all_out & out_m)
            n_out = plsc.all_reduce_population_count(all_out)

            def fast():
                return tuple(jnp.where(h, smax, smin) for h in his)

            def slow():
                lcs = []
                for u in range(_G):
                    lc0 = jnp.where(his[u], smax, smin)
                    n_u = plsc.all_reduce_population_count(outs[u])
                    lcs.append(lax.cond(
                        n_u[0] == _L,
                        lambda lc0=lc0: lc0,
                        lambda u=u, lc0=lc0: slow_path(xs[u], outs[u], lc0)))
                return tuple(lcs)

            lcs = lax.cond(n_out[0] == _L, fast, slow)
            for u in range(_G):
                xv = xs[u]
                lc = lcs[u]
                o_v[r, pl.ds(col0 + u * _L, _L)] = xv + (lc - xv)
                d = lc - xv
                a = a + d * d
            return a

    acc_v[...] = acc
    pltpu.sync_copy(o_v, out_hbm.at[pl.ds(row0, _ROWS)])
    pltpu.sync_copy(acc_v, sq_hbm.at[wid])


def kernel(encoded, embeddings):
    latent_code_st, sq = _vq_snap(encoded, embeddings)
    loss = 2.0 * (jnp.sum(sq) / encoded.shape[0])
    return latent_code_st, loss

# --- scband reference (transcript-rebuilt; emitter-appended) ---
"""Pipeline reference for scband-vector-quantized-bottleneck-63625645522984 (READ-ONLY COPY).

The authoritative reference and input builder live on the scoring server;
editing this copy changes nothing except your own understanding.
"""

import jax, jax.numpy as jnp
import numpy as np

LATENT_DIM = 512
NUM_CATEGORIES = 2048
BETA = 1.0
BATCH = 128


def setup_inputs(seed: int = 0) -> dict:
    key = jax.random.key(seed)
    k1, k2 = jax.random.split(key)
    encoded = jax.random.normal(k1, (BATCH, LATENT_DIM), dtype=jnp.float32)
    embeddings = jax.random.uniform(
        k2, (1, NUM_CATEGORIES),
        minval=-1.0 / NUM_CATEGORIES, maxval=1.0 / NUM_CATEGORIES,
        dtype=jnp.float32,
    )
    return {"encoded": encoded, "embeddings": embeddings}


def reference(encoded, embeddings):
    # _quantize: scalar VQ -- each element of encoded snapped to nearest of K scalar codes
    flat_inputs = encoded.reshape(-1, 1)                       # [N, 1]
    dist = (embeddings - flat_inputs) ** 2                     # [N, K]
    dist_idx = jnp.argmin(dist, axis=-1)                       # [N]
    idx_mask = jax.nn.one_hot(dist_idx, embeddings.shape[1], dtype=encoded.dtype)  # [N, K]
    latent_code = (idx_mask @ embeddings.T).reshape(encoded.shape)  # [B, D]

    # _loss
    vq_loss = (latent_code - jax.lax.stop_gradient(encoded)) ** 2
    commitment_loss = (encoded - jax.lax.stop_gradient(latent_code)) ** 2
    loss = (vq_loss + BETA * commitment_loss).sum(axis=1).mean(axis=0)

    # straight-through estimator: forward = latent_code, backward grad passes to encoded
    latent_code_st = encoded + jax.lax.stop_gradient(latent_code - encoded)
    return latent_code_st, loss

if __name__ == "__main__":
    import jax
    _d = setup_inputs()
    print(jax.jit(kernel)(*tuple(_d.values())))

</pallas_src>

<mosaic_0001>
#map = affine_map<(d0, d1) -> (0, 0)>
module attributes {stable_mosaic.version = 14 : i64} {
  func.func @_vq_snap(%arg0: i32, %arg1: i32, %arg2: memref<128x512xf32, #tpu.memory_space<hbm>>, %arg3: memref<1x2048xf32, #tpu.memory_space<hbm>>, %arg4: memref<128x512xf32, #tpu.memory_space<hbm>>, %arg5: memref<32x16xf32, #tpu.memory_space<hbm>>, %arg6: memref<2048xf32, #tpu.memory_space<vmem>>, %arg7: memref<4x512xf32, #tpu.memory_space<vmem>>, %arg8: memref<4x512xf32, #tpu.memory_space<vmem>>, %arg9: memref<16xf32, #tpu.memory_space<vmem>>, %arg10: memref<!tpu.dma_semaphore, #tpu.memory_space<semaphore_mem>>, %arg11: memref<!tpu.dma_semaphore, #tpu.memory_space<semaphore_mem>>) attributes {dimension_semantics = [#tpu.dimension_semantics<core_parallel>, #tpu.dimension_semantics<subcore_parallel>], iteration_bounds = array<i64: 2, 16>, scalar_prefetch = 0 : i64, scratch_operands = 6 : i64, tpu.core_type = #tpu.core_type<sc_vector_subcore>, window_params = [{transform_indices = #map}, {transform_indices = #map}, {transform_indices = #map}, {transform_indices = #map}]} {
    %mul3A = arith.constant 2 : i32
    %mul3A_0 = arith.muli %arg1, %mul3A : i32
    %add3A = arith.addi %mul3A_0, %arg0 : i32
    %iota3A = tpu.iota {dimensions = array<i32: 0>} : vector<16xi32>
    %mul3A_1 = arith.constant 4 : i32
    %mul3A_2 = arith.muli %add3A, %mul3A_1 : i32
    %dma_start3A = arith.constant 0 : i32
    "tpu.trace_start"() <{level = 10 : i32, message = "x_dma"}> : () -> ()
    %dma_start3A_3 = arith.constant 0 : i32
    %dma_start3A_4 = tpu.memref_slice %arg3[%dma_start3A, %dma_start3A_3] : memref<1x2048xf32, #tpu.memory_space<hbm>> -> memref<1x2048xf32, #tpu.memory_space<hbm>>
    %dma_start3A_5 = tpu.memref_squeeze %dma_start3A_4 : memref<1x2048xf32, #tpu.memory_space<hbm>> -> memref<2048xf32, #tpu.memory_space<hbm>>
    %dma_start3A_6 = arith.constant 0 : i32
    %dma_start3A_7 = tpu.memref_slice %arg3[%dma_start3A, %dma_start3A_6] : memref<1x2048xf32, #tpu.memory_space<hbm>> -> memref<1x2048xf32, #tpu.memory_space<hbm>>
    %dma_start3A_8 = tpu.memref_squeeze %dma_start3A_7 : memref<1x2048xf32, #tpu.memory_space<hbm>> -> memref<2048xf32, #tpu.memory_space<hbm>>
    tpu.enqueue_dma source(%dma_start3A_8 : memref<2048xf32, #tpu.memory_space<hbm>>) target(%arg6 : memref<2048xf32, #tpu.memory_space<vmem>>) target_semaphore(%arg10 : memref<!tpu.dma_semaphore, #tpu.memory_space<semaphore_mem>>)
    %dma_start3A_9 = arith.constant 0 : i32
    %dma_start3A_10 = tpu.memref_slice %arg2[%mul3A_2, %dma_start3A_9] : memref<128x512xf32, #tpu.memory_space<hbm>> -> memref<4x512xf32, #tpu.memory_space<hbm>>
    %dma_start3A_11 = arith.constant 0 : i32
    %dma_start3A_12 = tpu.memref_slice %arg2[%mul3A_2, %dma_start3A_11] : memref<128x512xf32, #tpu.memory_space<hbm>> -> memref<4x512xf32, #tpu.memory_space<hbm>>
    tpu.enqueue_dma source(%dma_start3A_12 : memref<4x512xf32, #tpu.memory_space<hbm>>) target(%arg7 : memref<4x512xf32, #tpu.memory_space<vmem>>) target_semaphore(%arg11 : memref<!tpu.dma_semaphore, #tpu.memory_space<semaphore_mem>>)
    %dma_wait3A = arith.constant 0 : i32
    %dma_wait3A_13 = arith.constant 0 : i32
    %dma_wait3A_14 = tpu.memref_slice %arg3[%dma_wait3A, %dma_wait3A_13] : memref<1x2048xf32, #tpu.memory_space<hbm>> -> memref<1x2048xf32, #tpu.memory_space<hbm>>
    %dma_wait3A_15 = tpu.memref_squeeze %dma_wait3A_14 : memref<1x2048xf32, #tpu.memory_space<hbm>> -> memref<2048xf32, #tpu.memory_space<hbm>>
    %dma_wait3A_16 = arith.constant 0 : i32
    %dma_wait3A_17 = tpu.memref_slice %arg3[%dma_wait3A, %dma_wait3A_16] : memref<1x2048xf32, #tpu.memory_space<hbm>> -> memref<1x2048xf32, #tpu.memory_space<hbm>>
    %dma_wait3A_18 = tpu.memref_squeeze %dma_wait3A_17 : memref<1x2048xf32, #tpu.memory_space<hbm>> -> memref<2048xf32, #tpu.memory_space<hbm>>
    tpu.wait_dma2 semaphore(%arg10 : memref<!tpu.dma_semaphore, #tpu.memory_space<semaphore_mem>>) src(%dma_wait3A_18 : memref<2048xf32, #tpu.memory_space<hbm>>) dst(%arg6 : memref<2048xf32, #tpu.memory_space<vmem>>)
    %broadcast_in_dim3A = arith.constant 0x7F800000 : f32
    "tpu.trace_stop"() : () -> ()
    "tpu.trace_start"() <{level = 10 : i32, message = "minmax"}> : () -> ()
    %broadcast_in_dim3A_19 = vector.broadcast %broadcast_in_dim3A : f32 to vector<16xf32>
    %broadcast_in_dim3A_20 = arith.constant 0xFF800000 : f32
    %broadcast_in_dim3A_21 = vector.broadcast %broadcast_in_dim3A_20 : f32 to vector<16xf32>
    %scan3A = arith.constant 0 : i32
    %scan3A_22 = arith.constant 128 : i32
    %scan3A_23 = arith.addi %scan3A, %scan3A_22 : i32
    %scan3A_24 = arith.constant 1 : i32
    %scan3A_25:2 = scf.for %scan3A_45 = %scan3A to %scan3A_23 step %scan3A_24 iter_args(%scan3A_46 = %broadcast_in_dim3A_19, %scan3A_47 = %broadcast_in_dim3A_21) -> (vector<16xf32>, vector<16xf32>)  : i32 {
      %mul3A_48 = arith.constant 16 : i32
      %mul3A_49 = arith.muli %scan3A_45, %mul3A_48 : i32
      %get3A = arith.index_cast %mul3A_49 : i32 to index
      %get3A_50 = tpu.vector_load %arg6[%get3A] {strides = array<i32>} : memref<2048xf32, #tpu.memory_space<vmem>>, vector<16xf32>,
      %min3A = arith.minimumf %scan3A_46, %get3A_50 : vector<16xf32>
      %max3A = arith.maximumf %scan3A_47, %get3A_50 : vector<16xf32>
      scf.yield %min3A, %max3A : vector<16xf32>, vector<16xf32>
    }
    %scan3A_26 = arith.constant 128 : i32
    %reduce_min3A = arith.constant true
    %reduce_min3A_27 = vector.broadcast %reduce_min3A : i1 to vector<16xi1>
    %reduce_min3A_28 = tpu.scan <min>, %scan3A_25#0 masked %reduce_min3A_27 : vector<16xf32>, vector<16xi1> -> vector<16xf32>
    %reduce_min3A_29 = vector.extract %reduce_min3A_28[15] : f32 from vector<16xf32>
    %broadcast_in_dim3A_30 = vector.broadcast %reduce_min3A_29 : f32 to vector<16xf32>
    %reduce_max3A = arith.constant true
    %reduce_max3A_31 = vector.broadcast %reduce_max3A : i1 to vector<16xi1>
    %reduce_max3A_32 = tpu.scan <max>, %scan3A_25#1 masked %reduce_max3A_31 : vector<16xf32>, vector<16xi1> -> vector<16xf32>
    %reduce_max3A_33 = vector.extract %reduce_max3A_32[15] : f32 from vector<16xf32>
    %broadcast_in_dim3A_34 = vector.broadcast %reduce_max3A_33 : f32 to vector<16xf32>
    "tpu.trace_stop"() : () -> ()
    %dma_wait3A_35 = arith.constant 0 : i32
    %dma_wait3A_36 = tpu.memref_slice %arg2[%mul3A_2, %dma_wait3A_35] : memref<128x512xf32, #tpu.memory_space<hbm>> -> memref<4x512xf32, #tpu.memory_space<hbm>>
    %dma_wait3A_37 = arith.constant 0 : i32
    %dma_wait3A_38 = tpu.memref_slice %arg2[%mul3A_2, %dma_wait3A_37] : memref<128x512xf32, #tpu.memory_space<hbm>> -> memref<4x512xf32, #tpu.memory_space<hbm>>
    tpu.wait_dma2 semaphore(%arg11 : memref<!tpu.dma_semaphore, #tpu.memory_space<semaphore_mem>>) src(%dma_wait3A_38 : memref<4x512xf32, #tpu.memory_space<hbm>>) dst(%arg7 : memref<4x512xf32, #tpu.memory_space<vmem>>)
    %broadcast_in_dim3A_39 = arith.constant 0.000000e+00 : f32
    "tpu.trace_start"() <{level = 10 : i32, message = "search_phase"}> : () -> ()
    %broadcast_in_dim3A_40 = vector.broadcast %broadcast_in_dim3A_39 : f32 to vector<16xf32>
    %parallel_loop3A = arith.constant 0 : i32
    %parallel_loop3A_41 = arith.constant 32 : i32
    %parallel_loop3A_42 = arith.constant 1 : i32
    %parallel_loop3A_43 = scf.for %parallel_loop3A_45 = %parallel_loop3A to %parallel_loop3A_41 step %parallel_loop3A_42 iter_args(%parallel_loop3A_46 = %broadcast_in_dim3A_40) -> (vector<16xf32>)  : i32 {
      %parallel_loop3A_47 = arith.constant 8 : i32
      %parallel_loop3A_48 = arith.divsi %parallel_loop3A_45, %parallel_loop3A_47 : i32
      %parallel_loop3A_49 = arith.constant 0 : i32
      %parallel_loop3A_50 = arith.cmpi sgt, %parallel_loop3A_45, %parallel_loop3A_49 : i32
      %parallel_loop3A_51 = arith.extui %parallel_loop3A_50 : i1 to i32
      %parallel_loop3A_52 = arith.constant 0 : i32
      %parallel_loop3A_53 = arith.cmpi slt, %parallel_loop3A_45, %parallel_loop3A_52 : i32
      %parallel_loop3A_54 = arith.extui %parallel_loop3A_53 : i1 to i32
      %parallel_loop3A_55 = arith.subi %parallel_loop3A_51, %parallel_loop3A_54 : i32
      %parallel_loop3A_56 = arith.constant 0 : i32
      %parallel_loop3A_57 = arith.cmpi sgt, %parallel_loop3A_47, %parallel_loop3A_56 : i32
      %parallel_loop3A_58 = arith.extui %parallel_loop3A_57 : i1 to i32
      %parallel_loop3A_59 = arith.constant 0 : i32
      %parallel_loop3A_60 = arith.cmpi slt, %parallel_loop3A_47, %parallel_loop3A_59 : i32
      %parallel_loop3A_61 = arith.extui %parallel_loop3A_60 : i1 to i32
      %parallel_loop3A_62 = arith.subi %parallel_loop3A_58, %parallel_loop3A_61 : i32
      %parallel_loop3A_63 = arith.cmpi ne, %parallel_loop3A_55, %parallel_loop3A_62 : i32
      %parallel_loop3A_64 = arith.remsi %parallel_loop3A_45, %parallel_loop3A_47 : i32
      %parallel_loop3A_65 = arith.constant 0 : i32
      %parallel_loop3A_66 = arith.cmpi ne, %parallel_loop3A_64, %parallel_loop3A_65 : i32
      %parallel_loop3A_67 = arith.andi %parallel_loop3A_63, %parallel_loop3A_66 : i1
      %parallel_loop3A_68 = arith.constant 1 : i32
      %parallel_loop3A_69 = arith.subi %parallel_loop3A_48, %parallel_loop3A_68 : i32
      %parallel_loop3A_70 = arith.select %parallel_loop3A_67, %parallel_loop3A_69, %parallel_loop3A_48 : i32
      %parallel_loop3A_71 = arith.constant 8 : i32
      %parallel_loop3A_72 = arith.constant 0 : i32
      %parallel_loop3A_73 = arith.cmpi eq, %parallel_loop3A_71, %parallel_loop3A_72 : i32
      %parallel_loop3A_74 = arith.constant 1 : i32
      %parallel_loop3A_75 = arith.select %parallel_loop3A_73, %parallel_loop3A_74, %parallel_loop3A_71 : i32
      %parallel_loop3A_76 = arith.remsi %parallel_loop3A_45, %parallel_loop3A_75 : i32
      %parallel_loop3A_77 = arith.constant 0 : i32
      %parallel_loop3A_78 = arith.cmpi ne, %parallel_loop3A_76, %parallel_loop3A_77 : i32
      %parallel_loop3A_79 = arith.constant 0 : i32
      %parallel_loop3A_80 = arith.cmpi slt, %parallel_loop3A_76, %parallel_loop3A_79 : i32
      %parallel_loop3A_81 = arith.constant 0 : i32
      %parallel_loop3A_82 = arith.cmpi slt, %parallel_loop3A_75, %parallel_loop3A_81 : i32
      %parallel_loop3A_83 = arith.xori %parallel_loop3A_80, %parallel_loop3A_82 : i1
      %parallel_loop3A_84 = arith.andi %parallel_loop3A_83, %parallel_loop3A_78 : i1
      %parallel_loop3A_85 = arith.addi %parallel_loop3A_76, %parallel_loop3A_75 : i32
      %parallel_loop3A_86 = arith.select %parallel_loop3A_84, %parallel_loop3A_85, %parallel_loop3A_76 : i32
      %parallel_loop3A_87 = arith.constant 64 : i32
      %parallel_loop3A_88 = arith.muli %parallel_loop3A_86, %parallel_loop3A_87 : i32
      %parallel_loop3A_89 = arith.constant 0 : i32
      %parallel_loop3A_90 = arith.addi %parallel_loop3A_88, %parallel_loop3A_89 : i32
      %parallel_loop3A_91 = arith.index_cast %parallel_loop3A_70 : i32 to index
      %parallel_loop3A_92 = arith.index_cast %parallel_loop3A_90 : i32 to index
      %parallel_loop3A_93 = tpu.vector_load %arg7[%parallel_loop3A_91, %parallel_loop3A_92] {strides = array<i32>} : memref<4x512xf32, #tpu.memory_space<vmem>>, vector<16xf32>,
      %parallel_loop3A_94 = arith.cmpf oge, %parallel_loop3A_93, %broadcast_in_dim3A_34 : vector<16xf32>
      %parallel_loop3A_95 = arith.cmpf ole, %parallel_loop3A_93, %broadcast_in_dim3A_30 : vector<16xf32>
      %parallel_loop3A_96 = arith.ori %parallel_loop3A_95, %parallel_loop3A_94 : vector<16xi1>
      %parallel_loop3A_97 = arith.constant 16 : i32
      %parallel_loop3A_98 = arith.addi %parallel_loop3A_88, %parallel_loop3A_97 : i32
      %parallel_loop3A_99 = arith.index_cast %parallel_loop3A_70 : i32 to index
      %parallel_loop3A_100 = arith.index_cast %parallel_loop3A_98 : i32 to index
      %parallel_loop3A_101 = tpu.vector_load %arg7[%parallel_loop3A_99, %parallel_loop3A_100] {strides = array<i32>} : memref<4x512xf32, #tpu.memory_space<vmem>>, vector<16xf32>,
      %parallel_loop3A_102 = arith.cmpf oge, %parallel_loop3A_101, %broadcast_in_dim3A_34 : vector<16xf32>
      %parallel_loop3A_103 = arith.cmpf ole, %parallel_loop3A_101, %broadcast_in_dim3A_30 : vector<16xf32>
      %parallel_loop3A_104 = arith.ori %parallel_loop3A_103, %parallel_loop3A_102 : vector<16xi1>
      %parallel_loop3A_105 = arith.andi %parallel_loop3A_96, %parallel_loop3A_104 : vector<16xi1>
      %parallel_loop3A_106 = arith.constant 32 : i32
      %parallel_loop3A_107 = arith.addi %parallel_loop3A_88, %parallel_loop3A_106 : i32
      %parallel_loop3A_108 = arith.index_cast %parallel_loop3A_70 : i32 to index
      %parallel_loop3A_109 = arith.index_cast %parallel_loop3A_107 : i32 to index
      %parallel_loop3A_110 = tpu.vector_load %arg7[%parallel_loop3A_108, %parallel_loop3A_109] {strides = array<i32>} : memref<4x512xf32, #tpu.memory_space<vmem>>, vector<16xf32>,
      %parallel_loop3A_111 = arith.cmpf oge, %parallel_loop3A_110, %broadcast_in_dim3A_34 : vector<16xf32>
      %parallel_loop3A_112 = arith.cmpf ole, %parallel_loop3A_110, %broadcast_in_dim3A_30 : vector<16xf32>
      %parallel_loop3A_113 = arith.ori %parallel_loop3A_112, %parallel_loop3A_111 : vector<16xi1>
      %parallel_loop3A_114 = arith.andi %parallel_loop3A_105, %parallel_loop3A_113 : vector<16xi1>
      %parallel_loop3A_115 = arith.constant 48 : i32
      %parallel_loop3A_116 = arith.addi %parallel_loop3A_88, %parallel_loop3A_115 : i32
      %parallel_loop3A_117 = arith.index_cast %parallel_loop3A_70 : i32 to index
      %parallel_loop3A_118 = arith.index_cast %parallel_loop3A_116 : i32 to index
      %parallel_loop3A_119 = tpu.vector_load %arg7[%parallel_loop3A_117, %parallel_loop3A_118] {strides = array<i32>} : memref<4x512xf32, #tpu.memory_space<vmem>>, vector<16xf32>,
      %parallel_loop3A_120 = arith.cmpf oge, %parallel_loop3A_119, %broadcast_in_dim3A_34 : vector<16xf32>
      %parallel_loop3A_121 = arith.cmpf ole, %parallel_loop3A_119, %broadcast_in_dim3A_30 : vector<16xf32>
      %parallel_loop3A_122 = arith.ori %parallel_loop3A_121, %parallel_loop3A_120 : vector<16xi1>
      %parallel_loop3A_123 = arith.andi %parallel_loop3A_114, %parallel_loop3A_122 : vector<16xi1>
      %parallel_loop3A_124 = tpu.all_reduce %parallel_loop3A_123 {dim = 0 : i64, kind = #tpu.reduction_kind<sum>} : vector<16xi1> -> vector<16xi32>
      %parallel_loop3A_125 = vector.extract_strided_slice %parallel_loop3A_124 {offsets = [0], sizes = [1], strides = [1]} : vector<16xi32> to vector<1xi32>
      %parallel_loop3A_126 = vector.extract %parallel_loop3A_125[0] : i32 from vector<1xi32>
      %parallel_loop3A_127 = arith.constant 16 : i32
      %parallel_loop3A_128 = arith.cmpi eq, %parallel_loop3A_126, %parallel_loop3A_127 : i32
      %parallel_loop3A_129 = arith.extui %parallel_loop3A_128 : i1 to i32
      %parallel_loop3A_130 = arith.constant 0 : i32
      %parallel_loop3A_131 = arith.cmpi ne, %parallel_loop3A_129, %parallel_loop3A_130 : i32
      %parallel_loop3A_132:4 = scf.if %parallel_loop3A_131 -> (vector<16xf32>, vector<16xf32>, vector<16xf32>, vector<16xf32>) {
        %parallel_loop3A_173 = arith.select %parallel_loop3A_94, %broadcast_in_dim3A_34, %broadcast_in_dim3A_30 : vector<16xi1>, vector<16xf32>
        %parallel_loop3A_174 = arith.select %parallel_loop3A_102, %broadcast_in_dim3A_34, %broadcast_in_dim3A_30 : vector<16xi1>, vector<16xf32>
        %parallel_loop3A_175 = arith.select %parallel_loop3A_111, %broadcast_in_dim3A_34, %broadcast_in_dim3A_30 : vector<16xi1>, vector<16xf32>
        %parallel_loop3A_176 = arith.select %parallel_loop3A_120, %broadcast_in_dim3A_34, %broadcast_in_dim3A_30 : vector<16xi1>, vector<16xf32>
        scf.yield %parallel_loop3A_173, %parallel_loop3A_174, %parallel_loop3A_175, %parallel_loop3A_176 : vector<16xf32>, vector<16xf32>, vector<16xf32>, vector<16xf32>
      } else {
        %parallel_loop3A_173 = arith.select %parallel_loop3A_94, %broadcast_in_dim3A_34, %broadcast_in_dim3A_30 : vector<16xi1>, vector<16xf32>
        %parallel_loop3A_174 = tpu.all_reduce %parallel_loop3A_96 {dim = 0 : i64, kind = #tpu.reduction_kind<sum>} : vector<16xi1> -> vector<16xi32>
        %parallel_loop3A_175 = vector.extract_strided_slice %parallel_loop3A_174 {offsets = [0], sizes = [1], strides = [1]} : vector<16xi32> to vector<1xi32>
        %parallel_loop3A_176 = vector.extract %parallel_loop3A_175[0] : i32 from vector<1xi32>
        %parallel_loop3A_177 = arith.constant 16 : i32
        %parallel_loop3A_178 = arith.cmpi eq, %parallel_loop3A_176, %parallel_loop3A_177 : i32
        %parallel_loop3A_179 = arith.extui %parallel_loop3A_178 : i1 to i32
        %parallel_loop3A_180 = arith.constant 0 : i32
        %parallel_loop3A_181 = arith.cmpi ne, %parallel_loop3A_179, %parallel_loop3A_180 : i32
        %parallel_loop3A_182 = scf.if %parallel_loop3A_181 -> (vector<16xf32>) {
          scf.yield %parallel_loop3A_173 : vector<16xf32>
        } else {
          %parallel_loop3A_213 = arith.constant dense<true> : vector<16xi1>
          %parallel_loop3A_214 = arith.xori %parallel_loop3A_96, %parallel_loop3A_213 : vector<16xi1>
          %parallel_loop3A_215:2 = scf.while (%while3A = %parallel_loop3A_214, %while3A_216 = %parallel_loop3A_173) : (vector<16xi1>, vector<16xf32>) -> (vector<16xi1>, vector<16xf32>) {
            %parallel_loop3A_217 = tpu.all_reduce %while3A {dim = 0 : i64, kind = #tpu.reduction_kind<sum>} : vector<16xi1> -> vector<16xi32>
            %parallel_loop3A_218 = vector.extract_strided_slice %parallel_loop3A_217 {offsets = [0], sizes = [1], strides = [1]} : vector<16xi32> to vector<1xi32>
            %parallel_loop3A_219 = vector.extract %parallel_loop3A_218[0] : i32 from vector<1xi32>
            %parallel_loop3A_220 = arith.constant 0 : i32
            %parallel_loop3A_221 = arith.cmpi sgt, %parallel_loop3A_219, %parallel_loop3A_220 : i32
            scf.condition(%parallel_loop3A_221) %while3A, %while3A_216 : vector<16xi1>, vector<16xf32>
          } do {
          ^bb0(%while3A: vector<16xi1>, %while3A_216: vector<16xf32>):
            %parallel_loop3A_217 = tpu.all_reduce %while3A {dim = 0 : i64, kind = #tpu.reduction_kind<find_first_set>} : vector<16xi1> -> vector<16xi32>
            %parallel_loop3A_218 = arith.constant 0 : i32
            %parallel_loop3A_219 = vector.broadcast %parallel_loop3A_218 : i32 to vector<16xi32>
            %parallel_loop3A_220 = arith.cmpi slt, %parallel_loop3A_217, %parallel_loop3A_219 : vector<16xi32>
            %parallel_loop3A_221 = arith.constant 16 : i32
            %parallel_loop3A_222 = vector.broadcast %parallel_loop3A_221 : i32 to vector<16xi32>
            %parallel_loop3A_223 = arith.addi %parallel_loop3A_217, %parallel_loop3A_222 : vector<16xi32>
            %parallel_loop3A_224 = arith.select %parallel_loop3A_220, %parallel_loop3A_223, %parallel_loop3A_217 : vector<16xi1>, vector<16xi32>
            %parallel_loop3A_225 = vector.shape_cast %parallel_loop3A_224 : vector<16xi32> to vector<16x1xi32>
            %parallel_loop3A_226 = vector.shape_cast %parallel_loop3A_225 : vector<16x1xi32> to vector<16xi32>
            %parallel_loop3A_227 = tpu.dynamic_gather %parallel_loop3A_93[%parallel_loop3A_226] in [0] : vector<16xf32>, vector<16xi32> -> vector<16xf32>
            %parallel_loop3A_228 = arith.constant 3.400000e+38 : f32
            %parallel_loop3A_229 = vector.broadcast %parallel_loop3A_228 : f32 to vector<16xf32>
            %parallel_loop3A_230 = arith.constant 0.000000e+00 : f32
            %parallel_loop3A_231 = vector.broadcast %parallel_loop3A_230 : f32 to vector<16xf32>
            %parallel_loop3A_232 = arith.constant 0 : i32
            %parallel_loop3A_233 = vector.broadcast %parallel_loop3A_232 : i32 to vector<16xi32>
            %parallel_loop3A_234 = arith.constant 0 : i32
            %parallel_loop3A_235 = arith.constant 128 : i32
            %parallel_loop3A_236 = arith.addi %parallel_loop3A_234, %parallel_loop3A_235 : i32
            %parallel_loop3A_237 = arith.constant 1 : i32
            %parallel_loop3A_238:3 = scf.for %scan3A_271 = %parallel_loop3A_234 to %parallel_loop3A_236 step %parallel_loop3A_237 iter_args(%scan3A_272 = %parallel_loop3A_229, %scan3A_273 = %parallel_loop3A_231, %scan3A_274 = %parallel_loop3A_233) -> (vector<16xf32>, vector<16xf32>, vector<16xi32>)  : i32 {
              %parallel_loop3A_275 = arith.constant 16 : i32
              %parallel_loop3A_276 = arith.muli %scan3A_271, %parallel_loop3A_275 : i32
              %parallel_loop3A_277 = arith.index_cast %parallel_loop3A_276 : i32 to index
              %parallel_loop3A_278 = tpu.vector_load %arg6[%parallel_loop3A_277] {strides = array<i32>} : memref<2048xf32, #tpu.memory_space<vmem>>, vector<16xf32>,
              %parallel_loop3A_279 = arith.subf %parallel_loop3A_278, %parallel_loop3A_227 : vector<16xf32>
              %parallel_loop3A_280 = arith.subf %parallel_loop3A_278, %parallel_loop3A_227 : vector<16xf32>
              %parallel_loop3A_281 = arith.mulf %parallel_loop3A_279, %parallel_loop3A_280 : vector<16xf32>
              %parallel_loop3A_282 = arith.cmpf olt, %parallel_loop3A_281, %scan3A_272 : vector<16xf32>
              %parallel_loop3A_283 = arith.constant 16 : i32
              %parallel_loop3A_284 = arith.muli %scan3A_271, %parallel_loop3A_283 : i32
              %parallel_loop3A_285 = vector.broadcast %parallel_loop3A_284 : i32 to vector<16xi32>
              %parallel_loop3A_286 = arith.addi %parallel_loop3A_285, %iota3A : vector<16xi32>
              %parallel_loop3A_287 = arith.select %parallel_loop3A_282, %parallel_loop3A_281, %scan3A_272 : vector<16xi1>, vector<16xf32>
              %parallel_loop3A_288 = arith.select %parallel_loop3A_282, %parallel_loop3A_278, %scan3A_273 : vector<16xi1>, vector<16xf32>
              %parallel_loop3A_289 = arith.select %parallel_loop3A_282, %parallel_loop3A_286, %scan3A_274 : vector<16xi1>, vector<16xi32>
              scf.yield %parallel_loop3A_287, %parallel_loop3A_288, %parallel_loop3A_289 : vector<16xf32>, vector<16xf32>, vector<16xi32>
            }
            %parallel_loop3A_239 = arith.constant 128 : i32
            %parallel_loop3A_240 = arith.constant true
            %parallel_loop3A_241 = vector.broadcast %parallel_loop3A_240 : i1 to vector<16xi1>
            %parallel_loop3A_242 = tpu.scan <min>, %parallel_loop3A_238#0 masked %parallel_loop3A_241 : vector<16xf32>, vector<16xi1> -> vector<16xf32>
            %parallel_loop3A_243 = vector.extract %parallel_loop3A_242[15] : f32 from vector<16xf32>
            %parallel_loop3A_244 = vector.broadcast %parallel_loop3A_243 : f32 to vector<16xf32>
            %parallel_loop3A_245 = arith.cmpf oeq, %parallel_loop3A_238#0, %parallel_loop3A_244 : vector<16xf32>
            %parallel_loop3A_246 = arith.constant 2048 : i32
            %parallel_loop3A_247 = vector.broadcast %parallel_loop3A_246 : i32 to vector<16xi32>
            %parallel_loop3A_248 = arith.select %parallel_loop3A_245, %parallel_loop3A_238#2, %parallel_loop3A_247 : vector<16xi1>, vector<16xi32>
            %parallel_loop3A_249 = arith.constant true
            %parallel_loop3A_250 = vector.broadcast %parallel_loop3A_249 : i1 to vector<16xi1>
            %parallel_loop3A_251 = arith.constant -2147483648 : i32
            %parallel_loop3A_252 = vector.broadcast %parallel_loop3A_251 : i32 to vector<16xi32>
            %parallel_loop3A_253 = arith.xori %parallel_loop3A_248, %parallel_loop3A_252 : vector<16xi32>
            %parallel_loop3A_254 = tpu.scan <min>, %parallel_loop3A_253 masked %parallel_loop3A_250 : vector<16xi32>, vector<16xi1> -> vector<16xi32>
            %parallel_loop3A_255 = arith.xori %parallel_loop3A_254, %parallel_loop3A_252 : vector<16xi32>
            %parallel_loop3A_256 = vector.extract %parallel_loop3A_255[15] : i32 from vector<16xi32>
            %parallel_loop3A_257 = vector.broadcast %parallel_loop3A_256 : i32 to vector<16xi32>
            %parallel_loop3A_258 = arith.cmpi eq, %parallel_loop3A_248, %parallel_loop3A_257 : vector<16xi32>
            %parallel_loop3A_259 = arith.constant -3.400000e+38 : f32
            %parallel_loop3A_260 = vector.broadcast %parallel_loop3A_259 : f32 to vector<16xf32>
            %parallel_loop3A_261 = arith.select %parallel_loop3A_258, %parallel_loop3A_238#1, %parallel_loop3A_260 : vector<16xi1>, vector<16xf32>
            %parallel_loop3A_262 = arith.constant true
            %parallel_loop3A_263 = vector.broadcast %parallel_loop3A_262 : i1 to vector<16xi1>
            %parallel_loop3A_264 = tpu.scan <max>, %parallel_loop3A_261 masked %parallel_loop3A_263 : vector<16xf32>, vector<16xi1> -> vector<16xf32>
            %parallel_loop3A_265 = vector.extract %parallel_loop3A_264[15] : f32 from vector<16xf32>
            %parallel_loop3A_266 = arith.cmpi eq, %iota3A, %parallel_loop3A_217 : vector<16xi32>
            %parallel_loop3A_267 = vector.broadcast %parallel_loop3A_265 : f32 to vector<16xf32>
            %parallel_loop3A_268 = arith.select %parallel_loop3A_266, %parallel_loop3A_267, %while3A_216 : vector<16xi1>, vector<16xf32>
            %parallel_loop3A_269 = arith.cmpi ne, %iota3A, %parallel_loop3A_217 : vector<16xi32>
            %parallel_loop3A_270 = arith.andi %while3A, %parallel_loop3A_269 : vector<16xi1>
            scf.yield %parallel_loop3A_270, %parallel_loop3A_268 : vector<16xi1>, vector<16xf32>
          }
          scf.yield %parallel_loop3A_215#1 : vector<16xf32>
        }
        %parallel_loop3A_183 = arith.select %parallel_loop3A_102, %broadcast_in_dim3A_34, %broadcast_in_dim3A_30 : vector<16xi1>, vector<16xf32>
        %parallel_loop3A_184 = tpu.all_reduce %parallel_loop3A_104 {dim = 0 : i64, kind = #tpu.reduction_kind<sum>} : vector<16xi1> -> vector<16xi32>
        %parallel_loop3A_185 = vector.extract_strided_slice %parallel_loop3A_184 {offsets = [0], sizes = [1], strides = [1]} : vector<16xi32> to vector<1xi32>
        %parallel_loop3A_186 = vector.extract %parallel_loop3A_185[0] : i32 from vector<1xi32>
        %parallel_loop3A_187 = arith.constant 16 : i32
        %parallel_loop3A_188 = arith.cmpi eq, %parallel_loop3A_186, %parallel_loop3A_187 : i32
        %parallel_loop3A_189 = arith.extui %parallel_loop3A_188 : i1 to i32
        %parallel_loop3A_190 = arith.constant 0 : i32
        %parallel_loop3A_191 = arith.cmpi ne, %parallel_loop3A_189, %parallel_loop3A_190 : i32
        %parallel_loop3A_192 = scf.if %parallel_loop3A_191 -> (vector<16xf32>) {
          scf.yield %parallel_loop3A_183 : vector<16xf32>
        } else {
          %parallel_loop3A_213 = arith.constant dense<true> : vector<16xi1>
          %parallel_loop3A_214 = arith.xori %parallel_loop3A_104, %parallel_loop3A_213 : vector<16xi1>
          %parallel_loop3A_215:2 = scf.while (%while3A = %parallel_loop3A_214, %while3A_216 = %parallel_loop3A_183) : (vector<16xi1>, vector<16xf32>) -> (vector<16xi1>, vector<16xf32>) {
            %parallel_loop3A_217 = tpu.all_reduce %while3A {dim = 0 : i64, kind = #tpu.reduction_kind<sum>} : vector<16xi1> -> vector<16xi32>
            %parallel_loop3A_218 = vector.extract_strided_slice %parallel_loop3A_217 {offsets = [0], sizes = [1], strides = [1]} : vector<16xi32> to vector<1xi32>
            %parallel_loop3A_219 = vector.extract %parallel_loop3A_218[0] : i32 from vector<1xi32>
            %parallel_loop3A_220 = arith.constant 0 : i32
            %parallel_loop3A_221 = arith.cmpi sgt, %parallel_loop3A_219, %parallel_loop3A_220 : i32
            scf.condition(%parallel_loop3A_221) %while3A, %while3A_216 : vector<16xi1>, vector<16xf32>
          } do {
          ^bb0(%while3A: vector<16xi1>, %while3A_216: vector<16xf32>):
            %parallel_loop3A_217 = tpu.all_reduce %while3A {dim = 0 : i64, kind = #tpu.reduction_kind<find_first_set>} : vector<16xi1> -> vector<16xi32>
            %parallel_loop3A_218 = arith.constant 0 : i32
            %parallel_loop3A_219 = vector.broadcast %parallel_loop3A_218 : i32 to vector<16xi32>
            %parallel_loop3A_220 = arith.cmpi slt, %parallel_loop3A_217, %parallel_loop3A_219 : vector<16xi32>
            %parallel_loop3A_221 = arith.constant 16 : i32
            %parallel_loop3A_222 = vector.broadcast %parallel_loop3A_221 : i32 to vector<16xi32>
            %parallel_loop3A_223 = arith.addi %parallel_loop3A_217, %parallel_loop3A_222 : vector<16xi32>
            %parallel_loop3A_224 = arith.select %parallel_loop3A_220, %parallel_loop3A_223, %parallel_loop3A_217 : vector<16xi1>, vector<16xi32>
            %parallel_loop3A_225 = vector.shape_cast %parallel_loop3A_224 : vector<16xi32> to vector<16x1xi32>
            %parallel_loop3A_226 = vector.shape_cast %parallel_loop3A_225 : vector<16x1xi32> to vector<16xi32>
            %parallel_loop3A_227 = tpu.dynamic_gather %parallel_loop3A_101[%parallel_loop3A_226] in [0] : vector<16xf32>, vector<16xi32> -> vector<16xf32>
            %parallel_loop3A_228 = arith.constant 3.400000e+38 : f32
            %parallel_loop3A_229 = vector.broadcast %parallel_loop3A_228 : f32 to vector<16xf32>
            %parallel_loop3A_230 = arith.constant 0.000000e+00 : f32
            %parallel_loop3A_231 = vector.broadcast %parallel_loop3A_230 : f32 to vector<16xf32>
            %parallel_loop3A_232 = arith.constant 0 : i32
            %parallel_loop3A_233 = vector.broadcast %parallel_loop3A_232 : i32 to vector<16xi32>
            %parallel_loop3A_234 = arith.constant 0 : i32
            %parallel_loop3A_235 = arith.constant 128 : i32
            %parallel_loop3A_236 = arith.addi %parallel_loop3A_234, %parallel_loop3A_235 : i32
            %parallel_loop3A_237 = arith.constant 1 : i32
            %parallel_loop3A_238:3 = scf.for %scan3A_271 = %parallel_loop3A_234 to %parallel_loop3A_236 step %parallel_loop3A_237 iter_args(%scan3A_272 = %parallel_loop3A_229, %scan3A_273 = %parallel_loop3A_231, %scan3A_274 = %parallel_loop3A_233) -> (vector<16xf32>, vector<16xf32>, vector<16xi32>)  : i32 {
              %parallel_loop3A_275 = arith.constant 16 : i32
              %parallel_loop3A_276 = arith.muli %scan3A_271, %parallel_loop3A_275 : i32
              %parallel_loop3A_277 = arith.index_cast %parallel_loop3A_276 : i32 to index
              %parallel_loop3A_278 = tpu.vector_load %arg6[%parallel_loop3A_277] {strides = array<i32>} : memref<2048xf32, #tpu.memory_space<vmem>>, vector<16xf32>,
              %parallel_loop3A_279 = arith.subf %parallel_loop3A_278, %parallel_loop3A_227 : vector<16xf32>
              %parallel_loop3A_280 = arith.subf %parallel_loop3A_278, %parallel_loop3A_227 : vector<16xf32>
              %parallel_loop3A_281 = arith.mulf %parallel_loop3A_279, %parallel_loop3A_280 : vector<16xf32>
              %parallel_loop3A_282 = arith.cmpf olt, %parallel_loop3A_281, %scan3A_272 : vector<16xf32>
              %parallel_loop3A_283 = arith.constant 16 : i32
              %parallel_loop3A_284 = arith.muli %scan3A_271, %parallel_loop3A_283 : i32
              %parallel_loop3A_285 = vector.broadcast %parallel_loop3A_284 : i32 to vector<16xi32>
              %parallel_loop3A_286 = arith.addi %parallel_loop3A_285, %iota3A : vector<16xi32>
              %parallel_loop3A_287 = arith.select %parallel_loop3A_282, %parallel_loop3A_281, %scan3A_272 : vector<16xi1>, vector<16xf32>
              %parallel_loop3A_288 = arith.select %parallel_loop3A_282, %parallel_loop3A_278, %scan3A_273 : vector<16xi1>, vector<16xf32>
              %parallel_loop3A_289 = arith.select %parallel_loop3A_282, %parallel_loop3A_286, %scan3A_274 : vector<16xi1>, vector<16xi32>
              scf.yield %parallel_loop3A_287, %parallel_loop3A_288, %parallel_loop3A_289 : vector<16xf32>, vector<16xf32>, vector<16xi32>
            }
            %parallel_loop3A_239 = arith.constant 128 : i32
            %parallel_loop3A_240 = arith.constant true
            %parallel_loop3A_241 = vector.broadcast %parallel_loop3A_240 : i1 to vector<16xi1>
            %parallel_loop3A_242 = tpu.scan <min>, %parallel_loop3A_238#0 masked %parallel_loop3A_241 : vector<16xf32>, vector<16xi1> -> vector<16xf32>
            %parallel_loop3A_243 = vector.extract %parallel_loop3A_242[15] : f32 from vector<16xf32>
            %parallel_loop3A_244 = vector.broadcast %parallel_loop3A_243 : f32 to vector<16xf32>
            %parallel_loop3A_245 = arith.cmpf oeq, %parallel_loop3A_238#0, %parallel_loop3A_244 : vector<16xf32>
            %parallel_loop3A_246 = arith.constant 2048 : i32
            %parallel_loop3A_247 = vector.broadcast %parallel_loop3A_246 : i32 to vector<16xi32>
            %parallel_loop3A_248 = arith.select %parallel_loop3A_245, %parallel_loop3A_238#2, %parallel_loop3A_247 : vector<16xi1>, vector<16xi32>
            %parallel_loop3A_249 = arith.constant true
            %parallel_loop3A_250 = vector.broadcast %parallel_loop3A_249 : i1 to vector<16xi1>
            %parallel_loop3A_251 = arith.constant -2147483648 : i32
            %parallel_loop3A_252 = vector.broadcast %parallel_loop3A_251 : i32 to vector<16xi32>
            %parallel_loop3A_253 = arith.xori %parallel_loop3A_248, %parallel_loop3A_252 : vector<16xi32>
            %parallel_loop3A_254 = tpu.scan <min>, %parallel_loop3A_253 masked %parallel_loop3A_250 : vector<16xi32>, vector<16xi1> -> vector<16xi32>
            %parallel_loop3A_255 = arith.xori %parallel_loop3A_254, %parallel_loop3A_252 : vector<16xi32>
            %parallel_loop3A_256 = vector.extract %parallel_loop3A_255[15] : i32 from vector<16xi32>
            %parallel_loop3A_257 = vector.broadcast %parallel_loop3A_256 : i32 to vector<16xi32>
            %parallel_loop3A_258 = arith.cmpi eq, %parallel_loop3A_248, %parallel_loop3A_257 : vector<16xi32>
            %parallel_loop3A_259 = arith.constant -3.400000e+38 : f32
            %parallel_loop3A_260 = vector.broadcast %parallel_loop3A_259 : f32 to vector<16xf32>
            %parallel_loop3A_261 = arith.select %parallel_loop3A_258, %parallel_loop3A_238#1, %parallel_loop3A_260 : vector<16xi1>, vector<16xf32>
            %parallel_loop3A_262 = arith.constant true
            %parallel_loop3A_263 = vector.broadcast %parallel_loop3A_262 : i1 to vector<16xi1>
            %parallel_loop3A_264 = tpu.scan <max>, %parallel_loop3A_261 masked %parallel_loop3A_263 : vector<16xf32>, vector<16xi1> -> vector<16xf32>
            %parallel_loop3A_265 = vector.extract %parallel_loop3A_264[15] : f32 from vector<16xf32>
            %parallel_loop3A_266 = arith.cmpi eq, %iota3A, %parallel_loop3A_217 : vector<16xi32>
            %parallel_loop3A_267 = vector.broadcast %parallel_loop3A_265 : f32 to vector<16xf32>
            %parallel_loop3A_268 = arith.select %parallel_loop3A_266, %parallel_loop3A_267, %while3A_216 : vector<16xi1>, vector<16xf32>
            %parallel_loop3A_269 = arith.cmpi ne, %iota3A, %parallel_loop3A_217 : vector<16xi32>
            %parallel_loop3A_270 = arith.andi %while3A, %parallel_loop3A_269 : vector<16xi1>
            scf.yield %parallel_loop3A_270, %parallel_loop3A_268 : vector<16xi1>, vector<16xf32>
          }
          scf.yield %parallel_loop3A_215#1 : vector<16xf32>
        }
        %parallel_loop3A_193 = arith.select %parallel_loop3A_111, %broadcast_in_dim3A_34, %broadcast_in_dim3A_30 : vector<16xi1>, vector<16xf32>
        %parallel_loop3A_194 = tpu.all_reduce %parallel_loop3A_113 {dim = 0 : i64, kind = #tpu.reduction_kind<sum>} : vector<16xi1> -> vector<16xi32>
        %parallel_loop3A_195 = vector.extract_strided_slice %parallel_loop3A_194 {offsets = [0], sizes = [1], strides = [1]} : vector<16xi32> to vector<1xi32>
        %parallel_loop3A_196 = vector.extract %parallel_loop3A_195[0] : i32 from vector<1xi32>
        %parallel_loop3A_197 = arith.constant 16 : i32
        %parallel_loop3A_198 = arith.cmpi eq, %parallel_loop3A_196, %parallel_loop3A_197 : i32
        %parallel_loop3A_199 = arith.extui %parallel_loop3A_198 : i1 to i32
        %parallel_loop3A_200 = arith.constant 0 : i32
        %parallel_loop3A_201 = arith.cmpi ne, %parallel_loop3A_199, %parallel_loop3A_200 : i32
        %parallel_loop3A_202 = scf.if %parallel_loop3A_201 -> (vector<16xf32>) {
          scf.yield %parallel_loop3A_193 : vector<16xf32>
        } else {
          %parallel_loop3A_213 = arith.constant dense<true> : vector<16xi1>
          %parallel_loop3A_214 = arith.xori %parallel_loop3A_113, %parallel_loop3A_213 : vector<16xi1>
          %parallel_loop3A_215:2 = scf.while (%while3A = %parallel_loop3A_214, %while3A_216 = %parallel_loop3A_193) : (vector<16xi1>, vector<16xf32>) -> (vector<16xi1>, vector<16xf32>) {
            %parallel_loop3A_217 = tpu.all_reduce %while3A {dim = 0 : i64, kind = #tpu.reduction_kind<sum>} : vector<16xi1> -> vector<16xi32>
            %parallel_loop3A_218 = vector.extract_strided_slice %parallel_loop3A_217 {offsets = [0], sizes = [1], strides = [1]} : vector<16xi32> to vector<1xi32>
            %parallel_loop3A_219 = vector.extract %parallel_loop3A_218[0] : i32 from vector<1xi32>
            %parallel_loop3A_220 = arith.constant 0 : i32
            %parallel_loop3A_221 = arith.cmpi sgt, %parallel_loop3A_219, %parallel_loop3A_220 : i32
            scf.condition(%parallel_loop3A_221) %while3A, %while3A_216 : vector<16xi1>, vector<16xf32>
          } do {
          ^bb0(%while3A: vector<16xi1>, %while3A_216: vector<16xf32>):
            %parallel_loop3A_217 = tpu.all_reduce %while3A {dim = 0 : i64, kind = #tpu.reduction_kind<find_first_set>} : vector<16xi1> -> vector<16xi32>
            %parallel_loop3A_218 = arith.constant 0 : i32
            %parallel_loop3A_219 = vector.broadcast %parallel_loop3A_218 : i32 to vector<16xi32>
            %parallel_loop3A_220 = arith.cmpi slt, %parallel_loop3A_217, %parallel_loop3A_219 : vector<16xi32>
            %parallel_loop3A_221 = arith.constant 16 : i32
            %parallel_loop3A_222 = vector.broadcast %parallel_loop3A_221 : i32 to vector<16xi32>
            %parallel_loop3A_223 = arith.addi %parallel_loop3A_217, %parallel_loop3A_222 : vector<16xi32>
            %parallel_loop3A_224 = arith.select %parallel_loop3A_220, %parallel_loop3A_223, %parallel_loop3A_217 : vector<16xi1>, vector<16xi32>
            %parallel_loop3A_225 = vector.shape_cast %parallel_loop3A_224 : vector<16xi32> to vector<16x1xi32>
            %parallel_loop3A_226 = vector.shape_cast %parallel_loop3A_225 : vector<16x1xi32> to vector<16xi32>
            %parallel_loop3A_227 = tpu.dynamic_gather %parallel_loop3A_110[%parallel_loop3A_226] in [0] : vector<16xf32>, vector<16xi32> -> vector<16xf32>
            %parallel_loop3A_228 = arith.constant 3.400000e+38 : f32
            %parallel_loop3A_229 = vector.broadcast %parallel_loop3A_228 : f32 to vector<16xf32>
            %parallel_loop3A_230 = arith.constant 0.000000e+00 : f32
            %parallel_loop3A_231 = vector.broadcast %parallel_loop3A_230 : f32 to vector<16xf32>
            %parallel_loop3A_232 = arith.constant 0 : i32
            %parallel_loop3A_233 = vector.broadcast %parallel_loop3A_232 : i32 to vector<16xi32>
            %parallel_loop3A_234 = arith.constant 0 : i32
            %parallel_loop3A_235 = arith.constant 128 : i32
            %parallel_loop3A_236 = arith.addi %parallel_loop3A_234, %parallel_loop3A_235 : i32
            %parallel_loop3A_237 = arith.constant 1 : i32
            %parallel_loop3A_238:3 = scf.for %scan3A_271 = %parallel_loop3A_234 to %parallel_loop3A_236 step %parallel_loop3A_237 iter_args(%scan3A_272 = %parallel_loop3A_229, %scan3A_273 = %parallel_loop3A_231, %scan3A_274 = %parallel_loop3A_233) -> (vector<16xf32>, vector<16xf32>, vector<16xi32>)  : i32 {
              %parallel_loop3A_275 = arith.constant 16 : i32
              %parallel_loop3A_276 = arith.muli %scan3A_271, %parallel_loop3A_275 : i32
              %parallel_loop3A_277 = arith.index_cast %parallel_loop3A_276 : i32 to index
              %parallel_loop3A_278 = tpu.vector_load %arg6[%parallel_loop3A_277] {strides = array<i32>} : memref<2048xf32, #tpu.memory_space<vmem>>, vector<16xf32>,
              %parallel_loop3A_279 = arith.subf %parallel_loop3A_278, %parallel_loop3A_227 : vector<16xf32>
              %parallel_loop3A_280 = arith.subf %parallel_loop3A_278, %parallel_loop3A_227 : vector<16xf32>
              %parallel_loop3A_281 = arith.mulf %parallel_loop3A_279, %parallel_loop3A_280 : vector<16xf32>
              %parallel_loop3A_282 = arith.cmpf olt, %parallel_loop3A_281, %scan3A_272 : vector<16xf32>
              %parallel_loop3A_283 = arith.constant 16 : i32
              %parallel_loop3A_284 = arith.muli %scan3A_271, %parallel_loop3A_283 : i32
              %parallel_loop3A_285 = vector.broadcast %parallel_loop3A_284 : i32 to vector<16xi32>
              %parallel_loop3A_286 = arith.addi %parallel_loop3A_285, %iota3A : vector<16xi32>
              %parallel_loop3A_287 = arith.select %parallel_loop3A_282, %parallel_loop3A_281, %scan3A_272 : vector<16xi1>, vector<16xf32>
              %parallel_loop3A_288 = arith.select %parallel_loop3A_282, %parallel_loop3A_278, %scan3A_273 : vector<16xi1>, vector<16xf32>
              %parallel_loop3A_289 = arith.select %parallel_loop3A_282, %parallel_loop3A_286, %scan3A_274 : vector<16xi1>, vector<16xi32>
              scf.yield %parallel_loop3A_287, %parallel_loop3A_288, %parallel_loop3A_289 : vector<16xf32>, vector<16xf32>, vector<16xi32>
            }
            %parallel_loop3A_239 = arith.constant 128 : i32
            %parallel_loop3A_240 = arith.constant true
            %parallel_loop3A_241 = vector.broadcast %parallel_loop3A_240 : i1 to vector<16xi1>
            %parallel_loop3A_242 = tpu.scan <min>, %parallel_loop3A_238#0 masked %parallel_loop3A_241 : vector<16xf32>, vector<16xi1> -> vector<16xf32>
            %parallel_loop3A_243 = vector.extract %parallel_loop3A_242[15] : f32 from vector<16xf32>
            %parallel_loop3A_244 = vector.broadcast %parallel_loop3A_243 : f32 to vector<16xf32>
            %parallel_loop3A_245 = arith.cmpf oeq, %parallel_loop3A_238#0, %parallel_loop3A_244 : vector<16xf32>
            %parallel_loop3A_246 = arith.constant 2048 : i32
            %parallel_loop3A_247 = vector.broadcast %parallel_loop3A_246 : i32 to vector<16xi32>
            %parallel_loop3A_248 = arith.select %parallel_loop3A_245, %parallel_loop3A_238#2, %parallel_loop3A_247 : vector<16xi1>, vector<16xi32>
            %parallel_loop3A_249 = arith.constant true
            %parallel_loop3A_250 = vector.broadcast %parallel_loop3A_249 : i1 to vector<16xi1>
            %parallel_loop3A_251 = arith.constant -2147483648 : i32
            %parallel_loop3A_252 = vector.broadcast %parallel_loop3A_251 : i32 to vector<16xi32>
            %parallel_loop3A_253 = arith.xori %parallel_loop3A_248, %parallel_loop3A_252 : vector<16xi32>
            %parallel_loop3A_254 = tpu.scan <min>, %parallel_loop3A_253 masked %parallel_loop3A_250 : vector<16xi32>, vector<16xi1> -> vector<16xi32>
            %parallel_loop3A_255 = arith.xori %parallel_loop3A_254, %parallel_loop3A_252 : vector<16xi32>
            %parallel_loop3A_256 = vector.extract %parallel_loop3A_255[15] : i32 from vector<16xi32>
            %parallel_loop3A_257 = vector.broadcast %parallel_loop3A_256 : i32 to vector<16xi32>
            %parallel_loop3A_258 = arith.cmpi eq, %parallel_loop3A_248, %parallel_loop3A_257 : vector<16xi32>
            %parallel_loop3A_259 = arith.constant -3.400000e+38 : f32
            %parallel_loop3A_260 = vector.broadcast %parallel_loop3A_259 : f32 to vector<16xf32>
            %parallel_loop3A_261 = arith.select %parallel_loop3A_258, %parallel_loop3A_238#1, %parallel_loop3A_260 : vector<16xi1>, vector<16xf32>
            %parallel_loop3A_262 = arith.constant true
            %parallel_loop3A_263 = vector.broadcast %parallel_loop3A_262 : i1 to vector<16xi1>
            %parallel_loop3A_264 = tpu.scan <max>, %parallel_loop3A_261 masked %parallel_loop3A_263 : vector<16xf32>, vector<16xi1> -> vector<16xf32>
            %parallel_loop3A_265 = vector.extract %parallel_loop3A_264[15] : f32 from vector<16xf32>
            %parallel_loop3A_266 = arith.cmpi eq, %iota3A, %parallel_loop3A_217 : vector<16xi32>
            %parallel_loop3A_267 = vector.broadcast %parallel_loop3A_265 : f32 to vector<16xf32>
            %parallel_loop3A_268 = arith.select %parallel_loop3A_266, %parallel_loop3A_267, %while3A_216 : vector<16xi1>, vector<16xf32>
            %parallel_loop3A_269 = arith.cmpi ne, %iota3A, %parallel_loop3A_217 : vector<16xi32>
            %parallel_loop3A_270 = arith.andi %while3A, %parallel_loop3A_269 : vector<16xi1>
            scf.yield %parallel_loop3A_270, %parallel_loop3A_268 : vector<16xi1>, vector<16xf32>
          }
          scf.yield %parallel_loop3A_215#1 : vector<16xf32>
        }
        %parallel_loop3A_203 = arith.select %parallel_loop3A_120, %broadcast_in_dim3A_34, %broadcast_in_dim3A_30 : vector<16xi1>, vector<16xf32>
        %parallel_loop3A_204 = tpu.all_reduce %parallel_loop3A_122 {dim = 0 : i64, kind = #tpu.reduction_kind<sum>} : vector<16xi1> -> vector<16xi32>
        %parallel_loop3A_205 = vector.extract_strided_slice %parallel_loop3A_204 {offsets = [0], sizes = [1], strides = [1]} : vector<16xi32> to vector<1xi32>
        %parallel_loop3A_206 = vector.extract %parallel_loop3A_205[0] : i32 from vector<1xi32>
        %parallel_loop3A_207 = arith.constant 16 : i32
        %parallel_loop3A_208 = arith.cmpi eq, %parallel_loop3A_206, %parallel_loop3A_207 : i32
        %parallel_loop3A_209 = arith.extui %parallel_loop3A_208 : i1 to i32
        %parallel_loop3A_210 = arith.constant 0 : i32
        %parallel_loop3A_211 = arith.cmpi ne, %parallel_loop3A_209, %parallel_loop3A_210 : i32
        %parallel_loop3A_212 = scf.if %parallel_loop3A_211 -> (vector<16xf32>) {
          scf.yield %parallel_loop3A_203 : vector<16xf32>
        } else {
          %parallel_loop3A_213 = arith.constant dense<true> : vector<16xi1>
          %parallel_loop3A_214 = arith.xori %parallel_loop3A_122, %parallel_loop3A_213 : vector<16xi1>
          %parallel_loop3A_215:2 = scf.while (%while3A = %parallel_loop3A_214, %while3A_216 = %parallel_loop3A_203) : (vector<16xi1>, vector<16xf32>) -> (vector<16xi1>, vector<16xf32>) {
            %parallel_loop3A_217 = tpu.all_reduce %while3A {dim = 0 : i64, kind = #tpu.reduction_kind<sum>} : vector<16xi1> -> vector<16xi32>
            %parallel_loop3A_218 = vector.extract_strided_slice %parallel_loop3A_217 {offsets = [0], sizes = [1], strides = [1]} : vector<16xi32> to vector<1xi32>
            %parallel_loop3A_219 = vector.extract %parallel_loop3A_218[0] : i32 from vector<1xi32>
            %parallel_loop3A_220 = arith.constant 0 : i32
            %parallel_loop3A_221 = arith.cmpi sgt, %parallel_loop3A_219, %parallel_loop3A_220 : i32
            scf.condition(%parallel_loop3A_221) %while3A, %while3A_216 : vector<16xi1>, vector<16xf32>
          } do {
          ^bb0(%while3A: vector<16xi1>, %while3A_216: vector<16xf32>):
            %parallel_loop3A_217 = tpu.all_reduce %while3A {dim = 0 : i64, kind = #tpu.reduction_kind<find_first_set>} : vector<16xi1> -> vector<16xi32>
            %parallel_loop3A_218 = arith.constant 0 : i32
            %parallel_loop3A_219 = vector.broadcast %parallel_loop3A_218 : i32 to vector<16xi32>
            %parallel_loop3A_220 = arith.cmpi slt, %parallel_loop3A_217, %parallel_loop3A_219 : vector<16xi32>
            %parallel_loop3A_221 = arith.constant 16 : i32
            %parallel_loop3A_222 = vector.broadcast %parallel_loop3A_221 : i32 to vector<16xi32>
            %parallel_loop3A_223 = arith.addi %parallel_loop3A_217, %parallel_loop3A_222 : vector<16xi32>
            %parallel_loop3A_224 = arith.select %parallel_loop3A_220, %parallel_loop3A_223, %parallel_loop3A_217 : vector<16xi1>, vector<16xi32>
            %parallel_loop3A_225 = vector.shape_cast %parallel_loop3A_224 : vector<16xi32> to vector<16x1xi32>
            %parallel_loop3A_226 = vector.shape_cast %parallel_loop3A_225 : vector<16x1xi32> to vector<16xi32>
            %parallel_loop3A_227 = tpu.dynamic_gather %parallel_loop3A_119[%parallel_loop3A_226] in [0] : vector<16xf32>, vector<16xi32> -> vector<16xf32>
            %parallel_loop3A_228 = arith.constant 3.400000e+38 : f32
            %parallel_loop3A_229 = vector.broadcast %parallel_loop3A_228 : f32 to vector<16xf32>
            %parallel_loop3A_230 = arith.constant 0.000000e+00 : f32
            %parallel_loop3A_231 = vector.broadcast %parallel_loop3A_230 : f32 to vector<16xf32>
            %parallel_loop3A_232 = arith.constant 0 : i32
            %parallel_loop3A_233 = vector.broadcast %parallel_loop3A_232 : i32 to vector<16xi32>
            %parallel_loop3A_234 = arith.constant 0 : i32
            %parallel_loop3A_235 = arith.constant 128 : i32
            %parallel_loop3A_236 = arith.addi %parallel_loop3A_234, %parallel_loop3A_235 : i32
            %parallel_loop3A_237 = arith.constant 1 : i32
            %parallel_loop3A_238:3 = scf.for %scan3A_271 = %parallel_loop3A_234 to %parallel_loop3A_236 step %parallel_loop3A_237 iter_args(%scan3A_272 = %parallel_loop3A_229, %scan3A_273 = %parallel_loop3A_231, %scan3A_274 = %parallel_loop3A_233) -> (vector<16xf32>, vector<16xf32>, vector<16xi32>)  : i32 {
              %parallel_loop3A_275 = arith.constant 16 : i32
              %parallel_loop3A_276 = arith.muli %scan3A_271, %parallel_loop3A_275 : i32
              %parallel_loop3A_277 = arith.index_cast %parallel_loop3A_276 : i32 to index
              %parallel_loop3A_278 = tpu.vector_load %arg6[%parallel_loop3A_277] {strides = array<i32>} : memref<2048xf32, #tpu.memory_space<vmem>>, vector<16xf32>,
              %parallel_loop3A_279 = arith.subf %parallel_loop3A_278, %parallel_loop3A_227 : vector<16xf32>
              %parallel_loop3A_280 = arith.subf %parallel_loop3A_278, %parallel_loop3A_227 : vector<16xf32>
              %parallel_loop3A_281 = arith.mulf %parallel_loop3A_279, %parallel_loop3A_280 : vector<16xf32>
              %parallel_loop3A_282 = arith.cmpf olt, %parallel_loop3A_281, %scan3A_272 : vector<16xf32>
              %parallel_loop3A_283 = arith.constant 16 : i32
              %parallel_loop3A_284 = arith.muli %scan3A_271, %parallel_loop3A_283 : i32
              %parallel_loop3A_285 = vector.broadcast %parallel_loop3A_284 : i32 to vector<16xi32>
              %parallel_loop3A_286 = arith.addi %parallel_loop3A_285, %iota3A : vector<16xi32>
              %parallel_loop3A_287 = arith.select %parallel_loop3A_282, %parallel_loop3A_281, %scan3A_272 : vector<16xi1>, vector<16xf32>
              %parallel_loop3A_288 = arith.select %parallel_loop3A_282, %parallel_loop3A_278, %scan3A_273 : vector<16xi1>, vector<16xf32>
              %parallel_loop3A_289 = arith.select %parallel_loop3A_282, %parallel_loop3A_286, %scan3A_274 : vector<16xi1>, vector<16xi32>
              scf.yield %parallel_loop3A_287, %parallel_loop3A_288, %parallel_loop3A_289 : vector<16xf32>, vector<16xf32>, vector<16xi32>
            }
            %parallel_loop3A_239 = arith.constant 128 : i32
            %parallel_loop3A_240 = arith.constant true
            %parallel_loop3A_241 = vector.broadcast %parallel_loop3A_240 : i1 to vector<16xi1>
            %parallel_loop3A_242 = tpu.scan <min>, %parallel_loop3A_238#0 masked %parallel_loop3A_241 : vector<16xf32>, vector<16xi1> -> vector<16xf32>
            %parallel_loop3A_243 = vector.extract %parallel_loop3A_242[15] : f32 from vector<16xf32>
            %parallel_loop3A_244 = vector.broadcast %parallel_loop3A_243 : f32 to vector<16xf32>
            %parallel_loop3A_245 = arith.cmpf oeq, %parallel_loop3A_238#0, %parallel_loop3A_244 : vector<16xf32>
            %parallel_loop3A_246 = arith.constant 2048 : i32
            %parallel_loop3A_247 = vector.broadcast %parallel_loop3A_246 : i32 to vector<16xi32>
            %parallel_loop3A_248 = arith.select %parallel_loop3A_245, %parallel_loop3A_238#2, %parallel_loop3A_247 : vector<16xi1>, vector<16xi32>
            %parallel_loop3A_249 = arith.constant true
            %parallel_loop3A_250 = vector.broadcast %parallel_loop3A_249 : i1 to vector<16xi1>
            %parallel_loop3A_251 = arith.constant -2147483648 : i32
            %parallel_loop3A_252 = vector.broadcast %parallel_loop3A_251 : i32 to vector<16xi32>
            %parallel_loop3A_253 = arith.xori %parallel_loop3A_248, %parallel_loop3A_252 : vector<16xi32>
            %parallel_loop3A_254 = tpu.scan <min>, %parallel_loop3A_253 masked %parallel_loop3A_250 : vector<16xi32>, vector<16xi1> -> vector<16xi32>
            %parallel_loop3A_255 = arith.xori %parallel_loop3A_254, %parallel_loop3A_252 : vector<16xi32>
            %parallel_loop3A_256 = vector.extract %parallel_loop3A_255[15] : i32 from vector<16xi32>
            %parallel_loop3A_257 = vector.broadcast %parallel_loop3A_256 : i32 to vector<16xi32>
            %parallel_loop3A_258 = arith.cmpi eq, %parallel_loop3A_248, %parallel_loop3A_257 : vector<16xi32>
            %parallel_loop3A_259 = arith.constant -3.400000e+38 : f32
            %parallel_loop3A_260 = vector.broadcast %parallel_loop3A_259 : f32 to vector<16xf32>
            %parallel_loop3A_261 = arith.select %parallel_loop3A_258, %parallel_loop3A_238#1, %parallel_loop3A_260 : vector<16xi1>, vector<16xf32>
            %parallel_loop3A_262 = arith.constant true
            %parallel_loop3A_263 = vector.broadcast %parallel_loop3A_262 : i1 to vector<16xi1>
            %parallel_loop3A_264 = tpu.scan <max>, %parallel_loop3A_261 masked %parallel_loop3A_263 : vector<16xf32>, vector<16xi1> -> vector<16xf32>
            %parallel_loop3A_265 = vector.extract %parallel_loop3A_264[15] : f32 from vector<16xf32>
            %parallel_loop3A_266 = arith.cmpi eq, %iota3A, %parallel_loop3A_217 : vector<16xi32>
            %parallel_loop3A_267 = vector.broadcast %parallel_loop3A_265 : f32 to vector<16xf32>
            %parallel_loop3A_268 = arith.select %parallel_loop3A_266, %parallel_loop3A_267, %while3A_216 : vector<16xi1>, vector<16xf32>
            %parallel_loop3A_269 = arith.cmpi ne, %iota3A, %parallel_loop3A_217 : vector<16xi32>
            %parallel_loop3A_270 = arith.andi %while3A, %parallel_loop3A_269 : vector<16xi1>
            scf.yield %parallel_loop3A_270, %parallel_loop3A_268 : vector<16xi1>, vector<16xf32>
          }
          scf.yield %parallel_loop3A_215#1 : vector<16xf32>
        }
        scf.yield %parallel_loop3A_182, %parallel_loop3A_192, %parallel_loop3A_202, %parallel_loop3A_212 : vector<16xf32>, vector<16xf32>, vector<16xf32>, vector<16xf32>
      }
      %parallel_loop3A_133 = arith.subf %parallel_loop3A_132#0, %parallel_loop3A_93 : vector<16xf32>
      %parallel_loop3A_134 = arith.addf %parallel_loop3A_93, %parallel_loop3A_133 : vector<16xf32>
      %parallel_loop3A_135 = arith.constant 0 : i32
      %parallel_loop3A_136 = arith.addi %parallel_loop3A_88, %parallel_loop3A_135 : i32
      %parallel_loop3A_137 = arith.index_cast %parallel_loop3A_70 : i32 to index
      %parallel_loop3A_138 = arith.index_cast %parallel_loop3A_136 : i32 to index
      %parallel_loop3A_139 = tpu.vector_load %arg8[%parallel_loop3A_137, %parallel_loop3A_138] {strides = array<i32>} : memref<4x512xf32, #tpu.memory_space<vmem>>, vector<16xf32>,
      tpu.vector_store %arg8[%parallel_loop3A_137, %parallel_loop3A_138], %parallel_loop3A_134 {strides = array<i32>} : memref<4x512xf32, #tpu.memory_space<vmem>>, vector<16xf32>,
      %parallel_loop3A_140 = arith.subf %parallel_loop3A_132#0, %parallel_loop3A_93 : vector<16xf32>
      %parallel_loop3A_141 = arith.mulf %parallel_loop3A_140, %parallel_loop3A_140 : vector<16xf32>
      %parallel_loop3A_142 = arith.addf %parallel_loop3A_46, %parallel_loop3A_141 : vector<16xf32>
      %parallel_loop3A_143 = arith.subf %parallel_loop3A_132#1, %parallel_loop3A_101 : vector<16xf32>
      %parallel_loop3A_144 = arith.addf %parallel_loop3A_101, %parallel_loop3A_143 : vector<16xf32>
      %parallel_loop3A_145 = arith.constant 16 : i32
      %parallel_loop3A_146 = arith.addi %parallel_loop3A_88, %parallel_loop3A_145 : i32
      %parallel_loop3A_147 = arith.index_cast %parallel_loop3A_70 : i32 to index
      %parallel_loop3A_148 = arith.index_cast %parallel_loop3A_146 : i32 to index
      %parallel_loop3A_149 = tpu.vector_load %arg8[%parallel_loop3A_147, %parallel_loop3A_148] {strides = array<i32>} : memref<4x512xf32, #tpu.memory_space<vmem>>, vector<16xf32>,
      tpu.vector_store %arg8[%parallel_loop3A_147, %parallel_loop3A_148], %parallel_loop3A_144 {strides = array<i32>} : memref<4x512xf32, #tpu.memory_space<vmem>>, vector<16xf32>,
      %parallel_loop3A_150 = arith.subf %parallel_loop3A_132#1, %parallel_loop3A_101 : vector<16xf32>
      %parallel_loop3A_151 = arith.mulf %parallel_loop3A_150, %parallel_loop3A_150 : vector<16xf32>
      %parallel_loop3A_152 = arith.addf %parallel_loop3A_142, %parallel_loop3A_151 : vector<16xf32>
      %parallel_loop3A_153 = arith.subf %parallel_loop3A_132#2, %parallel_loop3A_110 : vector<16xf32>
      %parallel_loop3A_154 = arith.addf %parallel_loop3A_110, %parallel_loop3A_153 : vector<16xf32>
      %parallel_loop3A_155 = arith.constant 32 : i32
      %parallel_loop3A_156 = arith.addi %parallel_loop3A_88, %parallel_loop3A_155 : i32
      %parallel_loop3A_157 = arith.index_cast %parallel_loop3A_70 : i32 to index
      %parallel_loop3A_158 = arith.index_cast %parallel_loop3A_156 : i32 to index
      %parallel_loop3A_159 = tpu.vector_load %arg8[%parallel_loop3A_157, %parallel_loop3A_158] {strides = array<i32>} : memref<4x512xf32, #tpu.memory_space<vmem>>, vector<16xf32>,
      tpu.vector_store %arg8[%parallel_loop3A_157, %parallel_loop3A_158], %parallel_loop3A_154 {strides = array<i32>} : memref<4x512xf32, #tpu.memory_space<vmem>>, vector<16xf32>,
      %parallel_loop3A_160 = arith.subf %parallel_loop3A_132#2, %parallel_loop3A_110 : vector<16xf32>
      %parallel_loop3A_161 = arith.mulf %parallel_loop3A_160, %parallel_loop3A_160 : vector<16xf32>
      %parallel_loop3A_162 = arith.addf %parallel_loop3A_152, %parallel_loop3A_161 : vector<16xf32>
      %parallel_loop3A_163 = arith.subf %parallel_loop3A_132#3, %parallel_loop3A_119 : vector<16xf32>
      %parallel_loop3A_164 = arith.addf %parallel_loop3A_119, %parallel_loop3A_163 : vector<16xf32>
      %parallel_loop3A_165 = arith.constant 48 : i32
      %parallel_loop3A_166 = arith.addi %parallel_loop3A_88, %parallel_loop3A_165 : i32
      %parallel_loop3A_167 = arith.index_cast %parallel_loop3A_70 : i32 to index
      %parallel_loop3A_168 = arith.index_cast %parallel_loop3A_166 : i32 to index
      %parallel_loop3A_169 = tpu.vector_load %arg8[%parallel_loop3A_167, %parallel_loop3A_168] {strides = array<i32>} : memref<4x512xf32, #tpu.memory_space<vmem>>, vector<16xf32>,
      tpu.vector_store %arg8[%parallel_loop3A_167, %parallel_loop3A_168], %parallel_loop3A_164 {strides = array<i32>} : memref<4x512xf32, #tpu.memory_space<vmem>>, vector<16xf32>,
      %parallel_loop3A_170 = arith.subf %parallel_loop3A_132#3, %parallel_loop3A_119 : vector<16xf32>
      %parallel_loop3A_171 = arith.mulf %parallel_loop3A_170, %parallel_loop3A_170 : vector<16xf32>
      %parallel_loop3A_172 = arith.addf %parallel_loop3A_162, %parallel_loop3A_171 : vector<16xf32>
      scf.yield %parallel_loop3A_172 : vector<16xf32>
    } {sc.loop_unroll_factor = 2 : i64, sc.parallel_access}
    "tpu.trace_stop"() : () -> ()
    %swap3A = arith.constant 0 : index
    %swap3A_44 = tpu.vector_load %arg9[%swap3A] {strides = array<i32>} : memref<16xf32, #tpu.memory_space<vmem>>, vector<16xf32>,
    tpu.vector_store %arg9[%swap3A], %parallel_loop3A_43 {strides = array<i32>} : memref<16xf32, #tpu.memory_space<vmem>>, vector<16xf32>,
    "tpu.region"() ({
      %run_scoped3A = tpu.sem_alloc : memref<!tpu.dma_semaphore, #tpu.memory_space<semaphore_mem>>
      %dma_start3A_45 = arith.constant 0 : i32
      %dma_start3A_46 = tpu.memref_slice %arg4[%mul3A_2, %dma_start3A_45] : memref<128x512xf32, #tpu.memory_space<hbm>> -> memref<4x512xf32, #tpu.memory_space<hbm>>
      %dma_start3A_47 = arith.constant 0 : i32
      %dma_start3A_48 = tpu.memref_slice %arg4[%mul3A_2, %dma_start3A_47] : memref<128x512xf32, #tpu.memory_space<hbm>> -> memref<4x512xf32, #tpu.memory_space<hbm>>
      tpu.enqueue_dma source(%arg8 : memref<4x512xf32, #tpu.memory_space<vmem>>) target(%dma_start3A_48 : memref<4x512xf32, #tpu.memory_space<hbm>>) target_semaphore(%run_scoped3A : memref<!tpu.dma_semaphore, #tpu.memory_space<semaphore_mem>>)
      %dma_wait3A_49 = arith.constant 0 : i32
      %dma_wait3A_50 = tpu.memref_slice %arg4[%mul3A_2, %dma_wait3A_49] : memref<128x512xf32, #tpu.memory_space<hbm>> -> memref<4x512xf32, #tpu.memory_space<hbm>>
      %dma_wait3A_51 = arith.constant 0 : i32
      %dma_wait3A_52 = tpu.memref_slice %arg4[%mul3A_2, %dma_wait3A_51] : memref<128x512xf32, #tpu.memory_space<hbm>> -> memref<4x512xf32, #tpu.memory_space<hbm>>
      tpu.wait_dma2 semaphore(%run_scoped3A : memref<!tpu.dma_semaphore, #tpu.memory_space<semaphore_mem>>) src(%arg8 : memref<4x512xf32, #tpu.memory_space<vmem>>) dst(%dma_wait3A_52 : memref<4x512xf32, #tpu.memory_space<hbm>>)
      tpu.yield
    }) : () -> ()
    "tpu.region"() ({
      %run_scoped3A = tpu.sem_alloc : memref<!tpu.dma_semaphore, #tpu.memory_space<semaphore_mem>>
      %dma_start3A_45 = arith.constant 0 : i32
      %dma_start3A_46 = tpu.memref_slice %arg5[%add3A, %dma_start3A_45] : memref<32x16xf32, #tpu.memory_space<hbm>> -> memref<1x16xf32, #tpu.memory_space<hbm>>
      %dma_start3A_47 = tpu.memref_squeeze %dma_start3A_46 : memref<1x16xf32, #tpu.memory_space<hbm>> -> memref<16xf32, #tpu.memory_space<hbm>>
      %dma_start3A_48 = arith.constant 0 : i32
      %dma_start3A_49 = tpu.memref_slice %arg5[%add3A, %dma_start3A_48] : memref<32x16xf32, #tpu.memory_space<hbm>> -> memref<1x16xf32, #tpu.memory_space<hbm>>
      %dma_start3A_50 = tpu.memref_squeeze %dma_start3A_49 : memref<1x16xf32, #tpu.memory_space<hbm>> -> memref<16xf32, #tpu.memory_space<hbm>>
      tpu.enqueue_dma source(%arg9 : memref<16xf32, #tpu.memory_space<vmem>>) target(%dma_start3A_50 : memref<16xf32, #tpu.memory_space<hbm>>) target_semaphore(%run_scoped3A : memref<!tpu.dma_semaphore, #tpu.memory_space<semaphore_mem>>)
      %dma_wait3A_51 = arith.constant 0 : i32
      %dma_wait3A_52 = tpu.memref_slice %arg5[%add3A, %dma_wait3A_51] : memref<32x16xf32, #tpu.memory_space<hbm>> -> memref<1x16xf32, #tpu.memory_space<hbm>>
      %dma_wait3A_53 = tpu.memref_squeeze %dma_wait3A_52 : memref<1x16xf32, #tpu.memory_space<hbm>> -> memref<16xf32, #tpu.memory_space<hbm>>
      %dma_wait3A_54 = arith.constant 0 : i32
      %dma_wait3A_55 = tpu.memref_slice %arg5[%add3A, %dma_wait3A_54] : memref<32x16xf32, #tpu.memory_space<hbm>> -> memref<1x16xf32, #tpu.memory_space<hbm>>
      %dma_wait3A_56 = tpu.memref_squeeze %dma_wait3A_55 : memref<1x16xf32, #tpu.memory_space<hbm>> -> memref<16xf32, #tpu.memory_space<hbm>>
      tpu.wait_dma2 semaphore(%run_scoped3A : memref<!tpu.dma_semaphore, #tpu.memory_space<semaphore_mem>>) src(%arg9 : memref<16xf32, #tpu.memory_space<vmem>>) dst(%dma_wait3A_56 : memref<16xf32, #tpu.memory_space<hbm>>)
      tpu.yield
    }) : () -> ()
    return
  }
}

</mosaic_0001>

<sc_bundles>
// kernel: kernel.3.cloned.1.call-start
scs
__scs_entry_jumppad:
0x0: {  	(pc) =	sbr.rel $0x88, $3  }
0x1: {  	(tag) =	ssettag $0x0;
	lr =	simm.s32 $0x1  }
0x2: {  	[smem:$0x3F9F] =	sst lr;
	_ =	strace $0xD0000000  }
0x3: {  	_ = 	snop  }
0x4: {  	_ = 	snop  }
0x5: {  	_ = 	snop  }
0x6: {  	_ = 	snop  }
0x7: {  	_ = 	snop  }
__scs_overlays_trampoline_lowered:
0x8: {  	[smem:$0x3FAE] =	sst s0  }
0x9: {  	[smem:$0x3FAF] =	sst s1  }
0xa: {  	[smem:$0x3FB0] =	sst s2  }
0xb: {  	[smem:$0x3FB1] =	sst s3  }
0xc: {  	[smem:$0x3FB2] =	sst s4  }
0xd: {  	[smem:$0x3FB3] =	sst s5  }
0xe: {  	[smem:$0x3FB4] =	sst s6  }
0xf: {  	[smem:$0x3FB5] =	sst s7  }
0x10: {  	[smem:$0x3FB6] =	sst s8  }
0x11: {  	[smem:$0x3FB7] =	sst s9;
	s0 =	simm.s32 @!p0 $0x0  }
0x12: {  	s1 =	sld [smem:$0x3F9D];
	s0 =	simm.s32 @p0 $0x1  }
0x13: {  	[smem:$0x3FB8] =	sst s0;
	s0 =	simm.s32 @!p1 $0x0  }
0x14: {  	s2 =	sld [smem:$0x3F9C];
	s0 =	simm.s32 @p1 $0x1  }
0x15: {  	[smem:$0x3FB9] =	sst s0;
	s0 =	simm.s32 @!p2 $0x0  }
0x16: {  	s3 =	sld [smem:$0x3FDB];
	s0 =	simm.s32 @p2 $0x1  }
0x17: {  	s4 =	simm.s32 $0x1BF5;
	[smem:$0x3FBB] =	sst s0  }
0x18: {  	s0 =	sld [smem:$0x3F9E];
	_ =	swait.ge [sflag:s4], $0x0  }
0x19: {  	s7 =	sld [smem:$0x3F9F]  }
0x1a: {  	s8 =	sadd.s32 $0xFFFFE003, lr  }
0x1b: {  	s9 =	sadd.s32 $0xFFFFFEF7, lr;
	s5 =	simm.s32 $0xFFFFFFFF;
	p2 =	slt.u32 s8, $0xFFFFF086  }
0x1c: {  	p1 =	slt.u32 s9, $0xF7A;
	s5 =	simm.s32 @!p2 $0x0  }
0x1d: {  	s5 =	simm.s32 @p1 $0x1;
	p0 =	seq.s32 s7, s2  }
0x1e: {  	s7 =	smul.u32 @!p0 $0xF7A, s2;
	p2 =	seq.s32 @!p0 s5, $0x0  }
0x1f: {  	s9 =	smul.u32 $0xF7A, s1;
	s8 =	simm.s32 @!p0 $0x1BF5;
	p2 =	por !p2, p0  }
0x20: {  	[sflag:s8] =	ssyncset.s32 @!p0 $0xFFFFF086;
	s6 =	sadd.s32 @!p0 s3, s7;
	s7 =	simm.s32 @!p0 $0x108  }
0x21: {  	s3 =	sadd.s32 s3, s9;
	s6 =	sadd.s32 @!p0 $0x88, s6;
	s7 =	simm.s32 @p2 $0x1082  }
0x22: {  	[simem:s7], [sflag:s8] =	dma.local @!p0 [hbm:s6], $0xF7A  }
0x23: {  	s9 =	sor.u32 $0xD0000000, s2;
	s6 =	simm.s32 $0x108;
	_ =	swait.ge @!p0 [sflag:s8], $0x0  }
0x24: {  	s3 =	sadd.s32 $0x88, s3;
	s6 =	simm.s32 @!p1 $0x1082;
	[sflag:s4] =	ssyncset.s32 $0xFFFFF086  }
0x25: {  	[simem:s6], [sflag:s4] =	dma.local [hbm:s3], $0xF7A  }
0x26: {  	[smem:$0x3F9F] =	sst s1;
	(tag) =	ssettag s2;
	_ =	strace s9  }
0x27: {  	s1 =	sld [smem:$0x3FAF]  }
0x28: {  	s2 =	sld [smem:$0x3FB0]  }
0x29: {  	s4 =	sld [smem:$0x3FB2]  }
0x2a: {  	p0 =	seq.s32 s5, $0x0;
	s5 =	sld [smem:$0x3FB3]  }
0x2b: {  	s6 =	sld [smem:$0x3FB4]  }
0x2c: {  	s7 =	sld [smem:$0x3FB5]  }
0x2d: {  	s3 =	simm.s32 $0x108;
	s8 =	sld [smem:$0x3FB6]  }
0x2e: {  	s3 =	simm.s32 @!p0 $0x1082;
	s9 =	sld [smem:$0x3FB7]  }
0x2f: {  	lr =	sadd.s32 s0, s3;
	s0 =	sld [smem:$0x3FAE]  }
0x30: {  	s3 =	sld [smem:$0x3FB1]  }
0x31: {  	[smem:$0x3FBA] =	sst s10  }
0x32: {  	s10 =	sld [smem:$0x3FB8];
	_ =	sdelay $0x3  }
0x33: {  	p0 =	seq.s32 s10, $0x1;
	s10 =	sld [smem:$0x3FBA];
	_ =	sdelay $0x3  }
0x34: {  	[smem:$0x3FBA] =	sst s10  }
0x35: {  	s10 =	sld [smem:$0x3FB9];
	_ =	sdelay $0x3  }
0x36: {  	p1 =	seq.s32 s10, $0x1;
	s10 =	sld [smem:$0x3FBA];
	_ =	sdelay $0x3  }
0x37: {  	[smem:$0x3FBA] =	sst s10  }
0x38: {  	s10 =	sld [smem:$0x3FBB]  }
0x39: {  	_ = 	snop;
	(pc) =	sbr.ind lr, $3  }
0x3a: {  	_ = 	snop  }
0x3b: {  	_ = 	snop  }
0x3c: {  	p2 =	seq.s32 s10, $0x1;
	s10 =	sld [smem:$0x3FBA]  }
0x3d: {  	_ =	shalt  }
0x3e: {  	_ =	shalt  }
0x3f: {  	_ =	shalt  }
0x40: {  	_ =	shalt  }
0x41: {  	_ =	shalt  }
0x42: {  	_ =	shalt  }
0x43: {  	_ =	shalt  }
0x44: {  	_ =	shalt  }
0x45: {  	_ =	shalt  }
0x46: {  	_ =	shalt  }
0x47: {  	_ =	shalt  }
0x48: {  	_ =	shalt  }
0x49: {  	_ =	shalt  }
0x4a: {  	_ =	shalt  }
0x4b: {  	_ =	shalt  }
0x4c: {  	_ =	shalt  }
0x4d: {  	_ =	shalt  }
0x4e: {  	_ =	shalt  }
0x4f: {  	_ =	shalt  }
0x50: {  	_ =	shalt  }
0x51: {  	_ =	shalt  }
0x52: {  	_ =	shalt  }
0x53: {  	_ =	shalt  }
0x54: {  	_ =	shalt  }
0x55: {  	_ =	shalt  }
0x56: {  	_ =	shalt  }
0x57: {  	_ =	shalt  }
0x58: {  	_ =	shalt  }
0x59: {  	_ =	shalt  }
0x5a: {  	_ =	shalt  }
0x5b: {  	_ =	shalt  }
0x5c: {  	_ =	shalt  }
0x5d: {  	_ =	shalt  }
0x5e: {  	_ =	shalt  }
0x5f: {  	_ =	shalt  }
0x60: {  	_ =	shalt  }
0x61: {  	_ =	shalt  }
0x62: {  	_ =	shalt  }
0x63: {  	_ =	shalt  }
0x64: {  	_ =	shalt  }
0x65: {  	_ =	shalt  }
0x66: {  	_ =	shalt  }
0x67: {  	_ =	shalt  }
0x68: {  	_ =	shalt  }
0x69: {  	_ =	shalt  }
0x6a: {  	_ =	shalt  }
0x6b: {  	_ =	shalt  }
0x6c: {  	_ =	shalt  }
0x6d: {  	_ =	shalt  }
0x6e: {  	_ =	shalt  }
0x6f: {  	_ =	shalt  }
0x70: {  	_ =	shalt  }
0x71: {  	_ =	shalt  }
0x72: {  	_ =	shalt  }
0x73: {  	_ =	shalt  }
0x74: {  	_ =	shalt  }
0x75: {  	_ =	shalt  }
0x76: {  	_ =	shalt  }
0x77: {  	_ =	shalt  }
0x78: {  	_ =	shalt  }
0x79: {  	_ =	shalt  }
0x7a: {  	_ =	shalt  }
0x7b: {  	_ =	shalt  }
0x7c: {  	_ =	shalt  }
0x7d: {  	_ =	shalt  }
0x7e: {  	_ =	shalt  }
0x7f: {  	_ =	shalt  }
0x80: {  	_ =	shalt  }
0x81: {  	_ =	shalt  }
0x82: {  	_ =	shalt  }
0x83: {  	_ =	shalt  }
0x84: {  	_ =	shalt  }
0x85: {  	_ =	shalt  }
0x86: {  	_ =	shalt  }
0x87: {  	_ =	shalt  }
.Lfunc_end0:
.L_simem_size_0:
called_computation_lowered:
.L_overlay_start_0:
0x88: {  	s2 =	sld [smem:$0x3FD9]  }
0x89: {  	s3 =	sld [smem:$0x3FFE];
	_ =	sdelay $0x1  }
0x8a: {  	s1 =	srdreg.scid  }
0x8b: {  	s0 =	sand.u32 $0x1, s1  }
0x8c: {  	s14 =	sshll.u32 s0, $0xA;
	s2 =	sadd.s32 s3, s2  }
0x8d: {  	s2 =	sadd.s32 s2, s14  }
0x8e: {  	[smem:$0x3FC6] =	sst s2  }
0x8f: {  	_ = 	snop  }
0x90: {  	s2 =	sld [smem:$0x3FD0];
	_ =	sdelay $0x1  }
0x91: {  	s15 =	sld [smem:$0x3FC9]  }
0x92: {  	s5 =	simm.s32 $0xA;
	s6 =	simm.s32 $0x10;
	s4 =	sld [smem:$0x3FC8]  }
0x93: {  	[smem:s6], [sflag:s5] =	dma.local [hbm:s2], $0x1  }
0x94: {  	_ =	swait.eq [sflag:s5], $0x1  }
0x95: {  	[sflag:s5] =	ssyncset.done $0x0  }
0x96: {  	[sflag:s5] =	ssyncadd.s32 $0xFFFFFFFF  }
0x97: {  	s16 =	sld [smem:$0x10];
	(tm) =	ssettm $0x1  }
0x98: {  	s17 =	sld [smem:$0x3FFB];
	_ =	sdelay $0x3  }
0x99: {  	_ =	strace s17  }
0x9a: {  	s5 =	sld [smem:$0x3FFC];
	_ =	sdelay $0x3  }
0x9b: {  	_ =	strace s5  }
0x9c: {  	s5 =	sld [smem:$0x3FFD];
	_ =	sdelay $0x3  }
0x9d: {  	_ =	strace s5  }
0x9e: {  	_ =	strace $0x8FFFFFFF  }
0x9f: {  	s18 =	sld [smem:$0x3FDB];
	_ =	sdelay $0x1  }
0xa0: {  	s19 =	simm.s32 $_scs_section_size  }
0xa1: {  	s7 =	simm.s32 $_size__tile_overlayer_lowered;
	s8 =	simm.s32 $_tile_overlayer_lowered  }
0xa2: {  	s22 =	simm.s32 $0x1BFF;
	s21 =	sshll.u32 s8, $0x1;
	s5 =	sadd.s32 s19, s18  }
0xa3: {  	s9 =	simm.s32 $0x0;
	s20 =	sshll.u32 s7, $0x1;
	s7 =	sadd.s32 s21, s5  }
0xa4: {  	[timem:s9], [sflag:s22] =	dma.local [hbm:s7], s20  }
0xa5: {  	_ =	swait.ge [sflag:s22], s20  }
0xa6: {  	s6 =	ssub.s32 $0x0, s20;
	[sflag:s22] =	ssyncset.done $0x0  }
0xa7: {  	[sflag:s22] =	ssyncadd.s32 s6;
	_ =	sdelay $0x1  }
0xa8: {  	s23 =	simm.s32 $0x1B8B  }
0xa9: {  	_ =	swait.ge [sflag:s23], $0x1  }
0xaa: {  	[sflag:s23] =	ssyncset.done $0x0  }
0xab: {  	s25 =	simm.s32 $0x1B8E;
	s24 =	sld [smem:$0x3FFE];
	[sflag:s23] =	ssyncadd.s32 $0xFFFFFFFF  }
0xac: {  	s26 =	simm.s32 $execute0_lowered;
	[smem:$0x3FD2] =	sst s25  }
0xad: {  	s7 =	sshll.u32 s26, $0x1;
	_ =	strace $0x80000046;
	[dreg:$0x1] =	wrdreg $0xFFFFFFFF  }
0xae: {  	s28 =	simm.s32 $_size_execute0_lowered;
	s5 =	sadd.s32 s5, s7;
	[dreg:$0x0] =	wrdreg $0x0  }
0xaf: {  	s7 =	sshll.u32 s28, $0x1;
	[dreg:$0x2] =	wrdreg s5  }
0xb0: {  	[dreg:$0x3] =	wrdreg s7  }
0xb1: {  	[dreg:$0x4] =	wrdreg $0xC0  }
0xb2: {  	_ =	task [dreg:s9], $0x5FFFF  }
0xb3: {  	[dreg:$0x1] =	wrdreg $0xFFFFFFFF  }
0xb4: {  	[dreg:$0x0] =	wrdreg $0x60  }
0xb5: {  	[dreg:$0x2] =	wrdreg s15  }
0xb6: {  	[dreg:$0x3] =	wrdreg s4  }
0xb7: {  	[dreg:$0x4] =	wrdreg s16  }
0xb8: {  	[dreg:$0x5] =	wrdreg s24  }
0xb9: {  	[dreg:$0x6] =	wrdreg $0x9  }
0xba: {  	_ =	task.clear_ibuf [dreg:s9], $0x7FFFF;
	_ =	strace $0x90000046  }
0xbb: {  	s29 =	simm.s32 $0x9;
	_ =	strace $0x8000004B  }
0xbc: {  	_ =	swait.ge [sflag:s29], $0x1  }
0xbd: {  	[sflag:s29] =	ssyncadd.s32 $0xFFFFFFFF  }
0xbe: {  	_ =	strace $0x9000004B  }
0xbf: {  	_ =	sfence  }
0xc0: {  	s30 =	sld [smem:$0x0];
	_ =	sdelay $0x2  }
0xc1: {  	s31 =	sshll.u32 s1, $0xD;
	s1 =	sshrl.u32 s1, $0x2  }
0xc2: {  	s3 =	sand.u32 $0x4000, s31;
	s1 =	sadd.s32 s1, s30  }
0xc3: {  	s0 =	sor.u32 s3, s0;
	s1 =	sshll.u32 s1, $0x11  }
0xc4: {  	s0 =	sor.u32 s1, s0  }
0xc5: {  	s0 =	sadd.s32 $0x8F2B, s0  }
0xc6: {  	[sflag:s0] =	ssyncadd.remote.s32 $0x1  }
0xc7: {  	_ =	sfence.sel $0xFFFF  }
0xc8: {  	[dreg:$0x0] =	wrdreg $0xFFFFFFFF;
	(pc) =	sbr.abs _section_cstart, $3  }
0xc9: {  	[dreg:$0x1] =	wrdreg $0xFFFFFFFF  }
0xca: {  	_ =	task.clear_ibuf [dreg:s9], $0x2FFFF;
	_ =	strace $0x9FFFFFFF  }
0xcb: {  	(tm) =	ssettm $0x7FFFFFFF  }
tec
execute0_lowered:
.L_overlay_start_1:
0x0: {  	(tag) =	ssettag $0x1  }
0x1: {  	s4 =	rddreg [dreg:$0x0]  }
0x2: {  	s1 =	rddreg [dreg:$0x1]  }
0x3: {  	s5 =	rddreg [dreg:$0x2]  }
0x4: {  	s3 =	rddreg [dreg:$0x3];
	s6 =	srdreg.scid  }
0x5: {  	s0 =	rddreg [dreg:$0x4];
	s2 =	simm.s32 $0x0;
	s11 =	simm.s32 $0x1  }
0x6: {  	s12 =	simm.s32 $0x2;
	s13 =	simm.s32 $0x1000;
	s14 =	simm.s32 $0x3  }
0x7: {  	s15 =	simm.s32 $0x1800;
	s6 =	sand.u32 $0x1, s6;
	[smem:$0x7FF] =	sst s2  }
0x8: {  	s16 =	simm.s32 $0x0;
	s7 =	sshll.u32 s6, $0x4;
	_ =	strace $0x80000047  }
0x9: {  	s8 =	ssub.s32 $0x2, s6;
	s6 =	sshll.u32 s6, $0x6;
	s7 =	sadd.s32 s7, s3  }
.Ltmp0:
0xa: {  	s3 =	stileid.u32;
	s10 =	sshrl.u32 s8, $0x1;
	(pc) =	sbr.rel .LBB2_1-.Ltmp0, $4  }
0xb: {  	s9 =	sshll.u32 s3, $0x9;
	s31 =	sshll.u32 s3, $0x5;
	s8 =	ssub.s32 s8, s10  }
0xc: {  	s10 =	simm.s32 $0x800;
	s6 =	sor.u32 s6, s9;
	s7 =	sadd.s32 s31, s7  }
0xd: {  	s9 =	simm.s32 $0x400;
	s4 =	sadd.s32 s4, s6;
	s5 =	sadd.s32 s5, s6  }
0xe: {  	v0 =	vlaneseq.u32;
	s6 =	sadd.s32 $0x400, s7;
	s7 =	smax.u32 s8, $0x1;
	s8 =	simm.s32 $0x200  }
.LBB2_49:
0xf: {  	_ =	strace $0x9000004A;
	[tilespmem:$0x1800] =	vst v3  }
0x10: {  	[hbm4b:s5+s8] =	stream.strided.scatter [tilespmem:s13], [sflag:$0x3], $0x800, s9, s8, $0x38;
	[tilespmem:$0x1880] =	vst v63  }
0x11: {  	s16 =	sadd.s32 $0x1, s16;
	_ =	swait.ge [sflag:s14], $0x800  }
0x12: {  	p0 =	sne.s32 s16, s7;
	[sflag:s14] =	ssyncset.done $0x0  }
.Ltmp1:
0x13: {  	[sflag:s14] =	ssyncadd.s32 $0xFFFFF800;
	(pc) =	sbr.rel @!p0 .LBB2_50-.Ltmp1, $4  }
0x14: {  	[hbm4b:s6+s2] =	stream.linear.scatter [tilespmem:s15], [sflag:$0x3], $0x80, $0x38;
	[tilespmem:$0x1880] =	vst v63  }
0x15: {  	_ =	swait.ge [sflag:s14], $0x80  }
0x16: {  	[sflag:s14] =	ssyncset.done $0x0  }
0x17: {  	[sflag:s14] =	ssyncadd.s32 $0xFFFFFF80  }
.LBB2_1:
0x18: {  	_ =	strace $0x80000048  }
0x19: {  	[tilespmem:s2], [sflag:$0x1] =	stream.linear.gather [hbm4b:s1+s2], $0x800, $0x200038;
	[tilespmem:$0x1880] =	vst v63  }
0x1a: {  	_ = 	snop  }
0x1b: {  	[tilespmem:s10], [sflag:$0x2] =	stream.strided.gather [hbm4b:s4+s8], $0x800, s9, s8, $0x200038;
	[tilespmem:$0x1880] =	vst v63  }
0x1c: {  	_ =	swait.ge [sflag:s11], $0x800  }
0x1d: {  	[sflag:s11] =	ssyncset.done $0x0  }
0x1e: {  	[sflag:s11] =	ssyncadd.s32 $0xFFFFF800  }
0x1f: {  	_ =	strace $0x90000048  }
0x20: {  	s18 =	simm.s32 $0x0;
	_ =	strace $0x80000049  }
0x21: {  	v1 =	vimm.f32 $+Inf;
	v2 =	vimm.f32 $-Inf;
	s17 =	simm.s32 $0x40;
	v3 =	vld [tilespmem:s18+$0x0]  }
.LBB2_2:
0x22: {  	p0 =	sne.s32 s17, $0x1FC0  }
.Ltmp2:
0x23: {  	_ = 	snop;
	(pc) =	sbr.rel @p0 .LBB2_2-.Ltmp2, $3  }
0x24: {  	_ =	sdelay $0x1  }
0x25: {  	s18 =	sshra.s32 s17, $0x2;
	s17 =	sadd.s32 $0x40, s17;
	v1 =	vmin.f32 v1, v3;
	v2 =	vmax.f32 v2, v3  }
0x26: {  	v3 =	vld [tilespmem:s18+$0x0]  }
0x27: {  	_ =	sdelay $0x3  }
0x28: {  	v1 =	vmin.f32 v1, v3  }
0x29: {  	v2 =	vmax.f32 v2, v3;
	(xrf0) =	vmin.scan.msk.f32 $0xffff, v1  }
0x2a: {  	(xrf0) =	vmax.scan.msk.f32 $0xffff, v2;
	_ =	sdelay $0x4  }
0x2b: {  	v1, _, _ =	vpop (xrf0)  }
0x2c: {  	v2, _, _ =	vpop (xrf0)  }
.Ltmp3:
0x2d: {  	_ =	strace $0x90000049;
	(pc) =	sbr.rel .LBB2_4-.Ltmp3, $4  }
0x2e: {  	_ =	swait.ge [sflag:s12], $0x800  }
0x2f: {  	[sflag:s12] =	ssyncset.done $0x0  }
0x30: {  	[sflag:s12] =	ssyncadd.s32 $0xFFFFF800  }
0x31: {  	s17 =	simm.s32 $0x0;
	v3 =	vimm.f32 $0.0e+00;
	v1 =	vbroadcast v1, $0xF;
	v2 =	vbroadcast v2, $0xF;
	_ =	strace $0x8000004A  }
.LBB2_27:
0x32: {  	_ = 	snop  }
0x33: {  	v8 =	vsel vm4, v2, v1;
	v14 =	vsel vm2, v2, v1;
	v15 =	vsel vm0, v2, v1  }
.LBB2_48:
0x34: {  	v13 =	vmul.f32 v13, v13;
	_ =	sdelay $0x1  }
0x35: {  	v12 =	vmul.f32 v12, v12;
	v3 =	vadd.f32 v13, v3;
	_ =	sdelay $0x1  }
0x36: {  	v11 =	vmul.f32 v11, v11;
	v3 =	vadd.f32 v12, v3;
	_ =	sdelay $0x1  }
0x37: {  	v10 =	vmul.f32 v10, v10;
	v6 =	vsub.f32 v6, v7;
	v3 =	vadd.f32 v11, v3;
	_ =	sdelay $0x1  }
0x38: {  	v8 =	vsub.f32 v8, v9;
	v57 =	vmul.f32 v6, v6;
	v3 =	vadd.f32 v10, v3;
	_ =	sdelay $0x1  }
0x39: {  	v59 =	vsub.f32 v14, v5;
	v58 =	vmul.f32 v8, v8;
	v3 =	vadd.f32 v57, v3  }
0x3a: {  	v62 =	vsub.f32 v15, v4  }
0x3b: {  	p0 =	slt.u32 s17, $0x1E;
	v6 =	vadd.f32 v6, v7;
	v61 =	vmul.f32 v59, v59;
	v3 =	vadd.f32 v58, v3  }
.Ltmp4:
0x3c: {  	s21 =	sor.u32 $0x40, s18;
	v60 =	vadd.f32 v8, v9;
	(pc) =	sbr.rel @!p0 .LBB2_49-.Ltmp4, $4  }
0x3d: {  	s30 =	sor.u32 $0x50, s18;
	v5 =	vadd.f32 v59, v5;
	v63 =	vmul.f32 v62, v62;
	[tilespmem:s21+$0x1000] =	vst v6;
	v3 =	vadd.f32 v61, v3  }
0x3e: {  	v4 =	vadd.f32 v62, v4;
	[tilespmem:s30+$0x1000] =	vst v60  }
0x3f: {  	s31 =	sadd.s32 $0x2, s17;
	[tilespmem:s20+$0x1000] =	vst v5;
	v3 =	vadd.f32 v63, v3  }
0x40: {  	s17 =	smov.u32 s31;
	[tilespmem:s19+$0x1000] =	vst v4  }
.LBB2_4:
0x41: {  	s18 =	sshll.u32 s17, $0x8;
	s19 =	sshll.u32 s17, $0x4  }
0x42: {  	s20 =	sand.u32 $0x600, s18;
	s31 =	sand.u32 $0x180, s19  }
0x43: {  	s18 =	sor.u32 s31, s20  }
0x44: {  	v11 =	vld [tilespmem:s18+$0x800]  }
0x45: {  	v10 =	vld [tilespmem:s18+$0x810]  }
0x46: {  	v8 =	vld [tilespmem:s18+$0x820]  }
0x47: {  	v6 =	vld [tilespmem:s18+$0x830];
	_ =	sdelay $0x3  }
0x48: {  	vm7 =	vge.f32 v11, v2;
	vm0 =	vle.f32 v11, v1;
	vm4 =	vge.f32 v10, v2  }
0x49: {  	vm1 =	vle.f32 v10, v1;
	vm2 =	vge.f32 v8, v2;
	vm8 =	vle.f32 v6, v1  }
0x4a: {  	vm6 =	vmor vm0, vm7;
	vm5 =	vmor vm1, vm4;
	vm0 =	vle.f32 v8, v1  }
0x4b: {  	vm1 =	vmand vm6, vm5;
	vm3 =	vmor vm0, vm2;
	vm0 =	vge.f32 v6, v2  }
0x4c: {  	vm9 =	vmand vm1, vm3;
	vm1 =	vmor vm8, vm0  }
0x4d: {  	vm8 =	vmand vm9, vm1  }
0x4e: {  	v4 =	vmpcnt.ones.xlane vm8;
	_ =	sdelay $0x1  }
0x4f: {  	(v2sf) =	vpush v4, $0x0;
	_ =	sdelay $0xe  }
0x50: {  	s21 =	spop (v2sf)  }
0x51: {  	p0 =	sne.s32 s21, $0x10  }
.Ltmp5:
0x52: {  	_ = 	snop;
	(pc) =	sbr.rel @p0 .LBB2_6-.Ltmp5, $2  }
0x53: {  	_ =	sdelay $0x2  }
0x54: {  	v12 =	vsel vm7, v2, v1  }
.Ltmp6:
0x55: {  	(pc) =	sbr.rel .LBB2_26-.Ltmp6, $2  }
0x56: {  	_ =	sdelay $0x2  }
0x57: {  	v14 =	vsel vm4, v2, v1;
	v15 =	vsel vm2, v2, v1;
	v16 =	vsel vm0, v2, v1  }
.LBB2_6:
0x58: {  	v4 =	vmpcnt.ones.xlane vm6;
	_ =	sdelay $0x1  }
0x59: {  	(v2sf) =	vpush v4, $0x0;
	_ =	sdelay $0xe  }
0x5a: {  	s21 =	spop (v2sf)  }
0x5b: {  	p0 =	seq.s32 s21, $0x10  }
0x5c: {  	vm6 =	vmneg @!p0 vm6  }
0x5d: {  	v4 =	vmpcnt.ones.xlane @!p0 vm6;
	_ =	sdelay $0x1  }
0x5e: {  	(v2sf) =	vpush @!p0 v4, $0x0;
	_ =	sdelay $0xe  }
0x5f: {  	s21 =	spop @!p0 (v2sf)  }
0x60: {  	p1 =	slt.s32 @!p0 s21, $0x1  }
0x61: {  	p1 =	por p0, p1  }
.Ltmp7:
0x62: {  	_ = 	snop;
	(pc) =	sbr.rel @p1 .LBB2_7-.Ltmp7, $1  }
0x63: {  	_ =	sdelay $0x3  }
.LBB2_8:
0x64: {  	s21 =	simm.s32 $0x0  }
0x65: {  	v7 =	vld [tilespmem:s21+$0x0]  }
0x66: {  	v4 =	vmctz.xlane vm6;
	_ =	sdelay $0x1  }
0x67: {  	v14 =	vperm.xlane v11, v4  }
0x68: {  	v13 =	vimm.f32 $3.399999950e+38  }
0x69: {  	v5 =	vimm.f32 $0.0e+00;
	v9 =	vimm.s32 $0x0;
	s22 =	simm.s32 $0x10;
	s23 =	simm.s32 $0x10;
	v15 =	vsub.f32 v7, v14  }
.LBB2_9:
0x6a: {  	v16 =	vld [tilespmem:s23+$0x0];
	p0 =	sne.s32 s22, $0x7F0;
	s24 =	smov.u32 s22;
	s22 =	sadd.s32 $0x10, s22  }
.Ltmp8:
0x6b: {  	v15 =	vmul.f32 v15, v15;
	(pc) =	sbr.rel @p0 .LBB2_9-.Ltmp8, $4  }
0x6c: {  	_ = 	snop  }
0x6d: {  	v17 =	vor.u32 s21, v0;
	s21 =	smov.u32 s24;
	vm7 =	vlt.f32 v15, v13  }
0x6e: {  	v13 =	vsel vm7, v15, v13;
	v5 =	vsel vm7, v7, v5;
	v9 =	vsel vm7, v17, v9  }
0x6f: {  	s23 =	sadd.s32 $0x10, s23;
	v15 =	vsub.f32 v16, v14;
	v7 =	vmov v16  }
0x70: {  	_ = 	snop  }
0x71: {  	v14 =	vmul.f32 v15, v15;
	_ =	sdelay $0x1  }
0x72: {  	vm7 =	vlt.f32 v14, v13  }
0x73: {  	v13 =	vsel vm7, v14, v13  }
0x74: {  	(xrf0) =	vmin.scan.msk.f32 $0xffff, v13;
	_ =	sdelay $0x5  }
0x75: {  	v14, _, _ =	vpop (xrf0)  }
0x76: {  	v14 =	vbroadcast v14, $0xF  }
0x77: {  	v15 =	vor.u32 s21, v0  }
0x78: {  	v9 =	vsel vm7, v15, v9;
	vm8 =	veq.f32 v13, v14  }
0x79: {  	v9 =	vnsel vm8, $0x800, v9  }
0x7a: {  	v13 =	vxor.u32 $0x80000000, v9  }
0x7b: {  	(xrf0) =	vmin.scan.msk.u32 $0xffff, v13;
	_ =	sdelay $0x5  }
0x7c: {  	v13, _, _ =	vpop (xrf0)  }
0x7d: {  	(v2sf) =	vpush v13, $0xF;
	_ =	sdelay $0x2  }
0x7e: {  	vm8 =	vne.s32 v4, v0  }
0x7f: {  	vm6 =	vmand vm6, vm8  }
0x80: {  	v13 =	vmpcnt.ones.xlane vm6;
	_ =	sdelay $0x1  }
0x81: {  	(v2sf) =	vpush v13, $0x0;
	_ =	sdelay $0x7  }
0x82: {  	s30 =	spop (v2sf)  }
0x83: {  	s21 =	sxor.u32 $0x80000000, s30  }
0x84: {  	v5 =	vsel vm7, v7, v5;
	vm7 =	veq.s32 v9, s21  }
0x85: {  	v5 =	vnsel vm7, $0xFF7FC99E, v5  }
0x86: {  	(xrf0) =	vmax.scan.msk.f32 $0xffff, v5;
	_ =	sdelay $0x2  }
0x87: {  	s31 =	spop (v2sf)  }
0x88: {  	p0 =	sgt.s32 s31, $0x0  }
.Ltmp9:
0x89: {  	_ = 	snop;
	(pc) =	sbr.rel @p0 .LBB2_8-.Ltmp9, $4  }
.Ltmp10:
0x8a: {  	v5, _, _ =	vpop (xrf0);
	(pc) =	sbr.rel @!p0 .LBB2_11-.Ltmp10, $4  }
0x8b: {  	v5 =	vbroadcast v5, $0xF  }
0x8c: {  	vm7 =	veq.s32 v4, v0  }
0x8d: {  	v12 =	vsel vm7, v5, v12  }
0x8e: {  	_ = 	snop  }
.LBB2_7:
0x8f: {  	v12 =	vpsel p0, v12, v12  }
.LBB2_11:
0x90: {  	v4 =	vmpcnt.ones.xlane vm5;
	_ =	sdelay $0x1  }
0x91: {  	(v2sf) =	vpush v4, $0x0;
	_ =	sdelay $0xe  }
0x92: {  	s21 =	spop (v2sf)  }
0x93: {  	p0 =	seq.s32 s21, $0x10  }
0x94: {  	vm5 =	vmneg @!p0 vm5  }
0x95: {  	v4 =	vmpcnt.ones.xlane @!p0 vm5;
	_ =	sdelay $0x1  }
0x96: {  	(v2sf) =	vpush @!p0 v4, $0x0;
	_ =	sdelay $0xe  }
0x97: {  	s21 =	spop @!p0 (v2sf)  }
0x98: {  	p1 =	slt.s32 @!p0 s21, $0x1  }
0x99: {  	p1 =	por p0, p1  }
.Ltmp11:
0x9a: {  	_ = 	snop;
	(pc) =	sbr.rel @p1 .LBB2_12-.Ltmp11, $2  }
0x9b: {  	_ =	sdelay $0x2  }
0x9c: {  	v14 =	vsel vm4, v2, v1  }
.LBB2_13:
0x9d: {  	s21 =	simm.s32 $0x0  }
0x9e: {  	v7 =	vld [tilespmem:s21+$0x0]  }
0x9f: {  	v4 =	vmctz.xlane vm5;
	_ =	sdelay $0x1  }
0xa0: {  	v15 =	vperm.xlane v10, v4  }
0xa1: {  	v13 =	vimm.f32 $3.399999950e+38  }
0xa2: {  	v5 =	vimm.f32 $0.0e+00;
	v9 =	vimm.s32 $0x0;
	s22 =	simm.s32 $0x10;
	s23 =	simm.s32 $0x10;
	v16 =	vsub.f32 v7, v15  }
.LBB2_14:
0xa3: {  	v17 =	vld [tilespmem:s23+$0x0];
	p0 =	sne.s32 s22, $0x7F0;
	s24 =	smov.u32 s22;
	s22 =	sadd.s32 $0x10, s22  }
.Ltmp12:
0xa4: {  	v16 =	vmul.f32 v16, v16;
	(pc) =	sbr.rel @p0 .LBB2_14-.Ltmp12, $4  }
0xa5: {  	_ = 	snop  }
0xa6: {  	v18 =	vor.u32 s21, v0;
	s21 =	smov.u32 s24;
	vm4 =	vlt.f32 v16, v13  }
0xa7: {  	v13 =	vsel vm4, v16, v13;
	v5 =	vsel vm4, v7, v5;
	v9 =	vsel vm4, v18, v9  }
0xa8: {  	s23 =	sadd.s32 $0x10, s23;
	v16 =	vsub.f32 v17, v15;
	v7 =	vmov v17  }
0xa9: {  	_ = 	snop  }
0xaa: {  	v15 =	vmul.f32 v16, v16;
	_ =	sdelay $0x1  }
0xab: {  	vm4 =	vlt.f32 v15, v13  }
0xac: {  	v13 =	vsel vm4, v15, v13  }
0xad: {  	(xrf0) =	vmin.scan.msk.f32 $0xffff, v13;
	_ =	sdelay $0x5  }
0xae: {  	v15, _, _ =	vpop (xrf0)  }
0xaf: {  	v15 =	vbroadcast v15, $0xF  }
0xb0: {  	v63 =	vor.u32 s21, v0  }
0xb1: {  	v9 =	vsel vm4, v63, v9;
	vm6 =	veq.f32 v13, v15  }
0xb2: {  	v9 =	vnsel vm6, $0x800, v9  }
0xb3: {  	v13 =	vxor.u32 $0x80000000, v9  }
0xb4: {  	(xrf0) =	vmin.scan.msk.u32 $0xffff, v13;
	_ =	sdelay $0x5  }
0xb5: {  	v13, _, _ =	vpop (xrf0)  }
0xb6: {  	(v2sf) =	vpush v13, $0xF;
	_ =	sdelay $0x2  }
0xb7: {  	vm6 =	vne.s32 v4, v0  }
0xb8: {  	vm5 =	vmand vm5, vm6  }
0xb9: {  	v13 =	vmpcnt.ones.xlane vm5;
	_ =	sdelay $0x1  }
0xba: {  	(v2sf) =	vpush v13, $0x0;
	_ =	sdelay $0x7  }
0xbb: {  	s30 =	spop (v2sf)  }
0xbc: {  	s21 =	sxor.u32 $0x80000000, s30  }
0xbd: {  	v5 =	vsel vm4, v7, v5;
	vm4 =	veq.s32 v9, s21  }
0xbe: {  	v5 =	vnsel vm4, $0xFF7FC99E, v5  }
0xbf: {  	(xrf0) =	vmax.scan.msk.f32 $0xffff, v5;
	_ =	sdelay $0x2  }
0xc0: {  	s31 =	spop (v2sf)  }
0xc1: {  	p0 =	sgt.s32 s31, $0x0  }
.Ltmp13:
0xc2: {  	_ = 	snop;
	(pc) =	sbr.rel @p0 .LBB2_13-.Ltmp13, $4  }
.Ltmp14:
0xc3: {  	v5, _, _ =	vpop (xrf0);
	(pc) =	sbr.rel @!p0 .LBB2_16-.Ltmp14, $4  }
0xc4: {  	v5 =	vbroadcast v5, $0xF  }
0xc5: {  	vm4 =	veq.s32 v4, v0  }
0xc6: {  	v14 =	vsel vm4, v5, v14  }
0xc7: {  	_ = 	snop  }
.LBB2_12:
0xc8: {  	v14 =	vpsel p0, v14, v14  }
.LBB2_16:
0xc9: {  	v4 =	vmpcnt.ones.xlane vm3;
	_ =	sdelay $0x1  }
0xca: {  	(v2sf) =	vpush v4, $0x0;
	_ =	sdelay $0xe  }
0xcb: {  	s21 =	spop (v2sf)  }
0xcc: {  	p0 =	seq.s32 s21, $0x10  }
0xcd: {  	vm3 =	vmneg @!p0 vm3  }
0xce: {  	v4 =	vmpcnt.ones.xlane @!p0 vm3;
	_ =	sdelay $0x1  }
0xcf: {  	(v2sf) =	vpush @!p0 v4, $0x0;
	_ =	sdelay $0xe  }
0xd0: {  	s21 =	spop @!p0 (v2sf)  }
0xd1: {  	p1 =	slt.s32 @!p0 s21, $0x1  }
0xd2: {  	p1 =	por p0, p1  }
.Ltmp15:
0xd3: {  	_ = 	snop;
	(pc) =	sbr.rel @p1 .LBB2_17-.Ltmp15, $2  }
0xd4: {  	_ =	sdelay $0x2  }
0xd5: {  	v15 =	vsel vm2, v2, v1  }
.LBB2_18:
0xd6: {  	s21 =	simm.s32 $0x0  }
0xd7: {  	v7 =	vld [tilespmem:s21+$0x0]  }
0xd8: {  	v4 =	vmctz.xlane vm3;
	_ =	sdelay $0x1  }
0xd9: {  	v16 =	vperm.xlane v8, v4  }
0xda: {  	v13 =	vimm.f32 $3.399999950e+38  }
0xdb: {  	v5 =	vimm.f32 $0.0e+00;
	v9 =	vimm.s32 $0x0;
	s22 =	simm.s32 $0x10;
	s23 =	simm.s32 $0x10;
	v17 =	vsub.f32 v7, v16  }
.LBB2_19:
0xdc: {  	v18 =	vld [tilespmem:s23+$0x0];
	p0 =	sne.s32 s22, $0x7F0;
	s24 =	smov.u32 s22;
	s22 =	sadd.s32 $0x10, s22  }
.Ltmp16:
0xdd: {  	v17 =	vmul.f32 v17, v17;
	(pc) =	sbr.rel @p0 .LBB2_19-.Ltmp16, $4  }
0xde: {  	_ = 	snop  }
0xdf: {  	v19 =	vor.u32 s21, v0;
	s21 =	smov.u32 s24;
	vm2 =	vlt.f32 v17, v13  }
0xe0: {  	v13 =	vsel vm2, v17, v13;
	v5 =	vsel vm2, v7, v5;
	v9 =	vsel vm2, v19, v9  }
0xe1: {  	s23 =	sadd.s32 $0x10, s23;
	v17 =	vsub.f32 v18, v16;
	v7 =	vmov v18  }
0xe2: {  	_ = 	snop  }
0xe3: {  	v16 =	vmul.f32 v17, v17;
	_ =	sdelay $0x1  }
0xe4: {  	vm2 =	vlt.f32 v16, v13  }
0xe5: {  	v13 =	vsel vm2, v16, v13  }
0xe6: {  	(xrf0) =	vmin.scan.msk.f32 $0xffff, v13;
	_ =	sdelay $0x5  }
0xe7: {  	v16, _, _ =	vpop (xrf0)  }
0xe8: {  	v16 =	vbroadcast v16, $0xF  }
0xe9: {  	v17 =	vor.u32 s21, v0  }
0xea: {  	v9 =	vsel vm2, v17, v9;
	vm4 =	veq.f32 v13, v16  }
0xeb: {  	v9 =	vnsel vm4, $0x800, v9  }
0xec: {  	v13 =	vxor.u32 $0x80000000, v9  }
0xed: {  	(xrf0) =	vmin.scan.msk.u32 $0xffff, v13;
	_ =	sdelay $0x5  }
0xee: {  	v13, _, _ =	vpop (xrf0)  }
0xef: {  	(v2sf) =	vpush v13, $0xF;
	_ =	sdelay $0x2  }
0xf0: {  	vm4 =	vne.s32 v4, v0  }
0xf1: {  	vm3 =	vmand vm3, vm4  }
0xf2: {  	v13 =	vmpcnt.ones.xlane vm3;
	_ =	sdelay $0x1  }
0xf3: {  	(v2sf) =	vpush v13, $0x0;
	_ =	sdelay $0x7  }
0xf4: {  	s30 =	spop (v2sf)  }
0xf5: {  	s21 =	sxor.u32 $0x80000000, s30  }
0xf6: {  	v5 =	vsel vm2, v7, v5;
	vm2 =	veq.s32 v9, s21  }
0xf7: {  	v5 =	vnsel vm2, $0xFF7FC99E, v5  }
0xf8: {  	(xrf0) =	vmax.scan.msk.f32 $0xffff, v5;
	_ =	sdelay $0x2  }
0xf9: {  	s31 =	spop (v2sf)  }
0xfa: {  	p0 =	sgt.s32 s31, $0x0  }
.Ltmp17:
0xfb: {  	_ = 	snop;
	(pc) =	sbr.rel @p0 .LBB2_18-.Ltmp17, $4  }
.Ltmp18:
0xfc: {  	v5, _, _ =	vpop (xrf0);
	(pc) =	sbr.rel @!p0 .LBB2_21-.Ltmp18, $4  }
0xfd: {  	v5 =	vbroadcast v5, $0xF  }
0xfe: {  	vm2 =	veq.s32 v4, v0  }
0xff: {  	v15 =	vsel vm2, v5, v15  }
0x100: {  	_ = 	snop  }
.LBB2_17:
0x101: {  	v15 =	vpsel p0, v15, v15  }
.LBB2_21:
0x102: {  	v4 =	vmpcnt.ones.xlane vm1;
	_ =	sdelay $0x1  }
0x103: {  	(v2sf) =	vpush v4, $0x0;
	_ =	sdelay $0xe  }
0x104: {  	s21 =	spop (v2sf)  }
0x105: {  	p0 =	seq.s32 s21, $0x10  }
0x106: {  	vm1 =	vmneg @!p0 vm1  }
0x107: {  	v4 =	vmpcnt.ones.xlane @!p0 vm1;
	_ =	sdelay $0x1  }
0x108: {  	(v2sf) =	vpush @!p0 v4, $0x0;
	_ =	sdelay $0xe  }
0x109: {  	s21 =	spop @!p0 (v2sf)  }
0x10a: {  	p1 =	slt.s32 @!p0 s21, $0x1  }
0x10b: {  	p1 =	por p0, p1  }
.Ltmp19:
0x10c: {  	_ = 	snop;
	(pc) =	sbr.rel @p1 .LBB2_22-.Ltmp19, $2  }
0x10d: {  	_ =	sdelay $0x2  }
0x10e: {  	v16 =	vsel vm0, v2, v1  }
.LBB2_23:
0x10f: {  	s21 =	simm.s32 $0x0  }
0x110: {  	v7 =	vld [tilespmem:s21+$0x0]  }
0x111: {  	v4 =	vmctz.xlane vm1;
	_ =	sdelay $0x1  }
0x112: {  	v17 =	vperm.xlane v6, v4  }
0x113: {  	v13 =	vimm.f32 $3.399999950e+38  }
0x114: {  	v5 =	vimm.f32 $0.0e+00;
	v9 =	vimm.s32 $0x0;
	s22 =	simm.s32 $0x10;
	s23 =	simm.s32 $0x10;
	v18 =	vsub.f32 v7, v17  }
.LBB2_24:
0x115: {  	v19 =	vld [tilespmem:s23+$0x0];
	p0 =	sne.s32 s22, $0x7F0;
	s24 =	smov.u32 s22;
	s22 =	sadd.s32 $0x10, s22  }
.Ltmp20:
0x116: {  	v18 =	vmul.f32 v18, v18;
	(pc) =	sbr.rel @p0 .LBB2_24-.Ltmp20, $4  }
0x117: {  	_ = 	snop  }
0x118: {  	v20 =	vor.u32 s21, v0;
	s21 =	smov.u32 s24;
	vm0 =	vlt.f32 v18, v13  }
0x119: {  	v13 =	vsel vm0, v18, v13;
	v5 =	vsel vm0, v7, v5;
	v9 =	vsel vm0, v20, v9  }
0x11a: {  	s23 =	sadd.s32 $0x10, s23;
	v18 =	vsub.f32 v19, v17;
	v7 =	vmov v19  }
0x11b: {  	_ = 	snop  }
0x11c: {  	v17 =	vmul.f32 v18, v18;
	_ =	sdelay $0x1  }
0x11d: {  	vm0 =	vlt.f32 v17, v13  }
0x11e: {  	v13 =	vsel vm0, v17, v13  }
0x11f: {  	(xrf0) =	vmin.scan.msk.f32 $0xffff, v13;
	_ =	sdelay $0x5  }
0x120: {  	v17, _, _ =	vpop (xrf0)  }
0x121: {  	v17 =	vbroadcast v17, $0xF  }
0x122: {  	v18 =	vor.u32 s21, v0  }
0x123: {  	v9 =	vsel vm0, v18, v9;
	vm2 =	veq.f32 v13, v17  }
0x124: {  	v9 =	vnsel vm2, $0x800, v9  }
0x125: {  	v13 =	vxor.u32 $0x80000000, v9  }
0x126: {  	(xrf0) =	vmin.scan.msk.u32 $0xffff, v13;
	_ =	sdelay $0x5  }
0x127: {  	v13, _, _ =	vpop (xrf0)  }
0x128: {  	(v2sf) =	vpush v13, $0xF;
	_ =	sdelay $0x2  }
0x129: {  	vm2 =	vne.s32 v4, v0  }
0x12a: {  	vm1 =	vmand vm1, vm2  }
0x12b: {  	v13 =	vmpcnt.ones.xlane vm1;
	_ =	sdelay $0x1  }
0x12c: {  	(v2sf) =	vpush v13, $0x0;
	_ =	sdelay $0x7  }
0x12d: {  	s30 =	spop (v2sf)  }
0x12e: {  	s21 =	sxor.u32 $0x80000000, s30  }
0x12f: {  	v5 =	vsel vm0, v7, v5;
	vm0 =	veq.s32 v9, s21  }
0x130: {  	v5 =	vnsel vm0, $0xFF7FC99E, v5  }
0x131: {  	(xrf0) =	vmax.scan.msk.f32 $0xffff, v5;
	_ =	sdelay $0x2  }
0x132: {  	s31 =	spop (v2sf)  }
0x133: {  	p0 =	sgt.s32 s31, $0x0  }
.Ltmp21:
0x134: {  	_ = 	snop;
	(pc) =	sbr.rel @p0 .LBB2_23-.Ltmp21, $4  }
.Ltmp22:
0x135: {  	v5, _, _ =	vpop (xrf0);
	(pc) =	sbr.rel @!p0 .LBB2_26-.Ltmp22, $4  }
0x136: {  	v5 =	vbroadcast v5, $0xF  }
0x137: {  	vm0 =	veq.s32 v4, v0  }
0x138: {  	v16 =	vsel vm0, v5, v16  }
0x139: {  	_ = 	snop  }
.LBB2_22:
0x13a: {  	v12 =	vpsel p0, v12, v12  }
0x13b: {  	v14 =	vpsel p0, v14, v14;
	v15 =	vpsel p0, v15, v15;
	v16 =	vpsel p0, v16, v16  }
.LBB2_26:
0x13c: {  	s21 =	sor.u32 $0x840, s18  }
0x13d: {  	s28 =	sor.u32 $0x850, s18;
	s19 =	sor.u32 s19, s20;
	v7 =	vld [tilespmem:s21+$0x0]  }
0x13e: {  	v9 =	vld [tilespmem:s28+$0x0];
	s20 =	sor.u32 $0x60, s19  }
0x13f: {  	s19 =	sor.u32 $0x70, s19;
	v5 =	vld [tilespmem:s20+$0x800]  }
0x140: {  	v4 =	vld [tilespmem:s19+$0x800];
	_ =	sdelay $0x1  }
0x141: {  	vm7 =	vge.f32 v7, v2  }
0x142: {  	vm0 =	vle.f32 v7, v1;
	vm4 =	vge.f32 v9, v2;
	vm1 =	vle.f32 v9, v1  }
0x143: {  	vm6 =	vmor vm0, vm7;
	vm5 =	vmor vm1, vm4  }
0x144: {  	vm2 =	vge.f32 v5, v2;
	vm0 =	vle.f32 v5, v1;
	vm8 =	vle.f32 v4, v1  }
0x145: {  	vm1 =	vmand vm6, vm5;
	vm3 =	vmor vm0, vm2;
	vm0 =	vge.f32 v4, v2  }
0x146: {  	vm9 =	vmand vm1, vm3;
	vm1 =	vmor vm8, vm0  }
0x147: {  	vm8 =	vmand vm9, vm1  }
0x148: {  	v13 =	vmpcnt.ones.xlane vm8;
	_ =	sdelay $0x1  }
0x149: {  	(v2sf) =	vpush v13, $0x0;
	_ =	sdelay $0xd  }
0x14a: {  	v13 =	vsub.f32 v12, v11  }
0x14b: {  	v12 =	vsub.f32 v14, v10;
	s22 =	spop (v2sf)  }
0x14c: {  	v14 =	vadd.f32 v13, v11;
	v11 =	vsub.f32 v15, v8;
	p0 =	sne.s32 s22, $0x10  }
.Ltmp23:
0x14d: {  	v15 =	vadd.f32 v12, v10;
	v10 =	vsub.f32 v16, v6;
	(pc) =	sbr.rel @!p0 .LBB2_27-.Ltmp23, $4  }
0x14e: {  	s29 =	sor.u32 $0x10, s18;
	[tilespmem:s18+$0x1000] =	vst v14;
	v8 =	vadd.f32 v11, v8  }
0x14f: {  	s30 =	sor.u32 $0x20, s18;
	v6 =	vadd.f32 v10, v6;
	[tilespmem:s29+$0x1000] =	vst v15  }
0x150: {  	s31 =	sor.u32 $0x30, s18;
	[tilespmem:s30+$0x1000] =	vst v8  }
0x151: {  	[tilespmem:s31+$0x1000] =	vst v6;
	v6 =	vsel vm7, v2, v1  }
0x152: {  	v8 =	vmpcnt.ones.xlane vm6;
	_ =	sdelay $0x1  }
0x153: {  	(v2sf) =	vpush v8, $0x0;
	_ =	sdelay $0xe  }
0x154: {  	s21 =	spop (v2sf)  }
0x155: {  	p0 =	seq.s32 s21, $0x10  }
0x156: {  	vm6 =	vmneg @!p0 vm6  }
0x157: {  	v8 =	vmpcnt.ones.xlane @!p0 vm6;
	_ =	sdelay $0x1  }
0x158: {  	(v2sf) =	vpush @!p0 v8, $0x0;
	_ =	sdelay $0xe  }
0x159: {  	s21 =	spop @!p0 (v2sf)  }
0x15a: {  	p1 =	slt.s32 @!p0 s21, $0x1  }
0x15b: {  	p1 =	por p0, p1  }
.Ltmp24:
0x15c: {  	_ = 	snop;
	(pc) =	sbr.rel @p1 .LBB2_29-.Ltmp24, $1  }
0x15d: {  	_ =	sdelay $0x3  }
.LBB2_30:
0x15e: {  	s21 =	simm.s32 $0x0  }
0x15f: {  	v15 =	vld [tilespmem:s21+$0x0]  }
0x160: {  	v8 =	vmctz.xlane vm6;
	_ =	sdelay $0x1  }
0x161: {  	v18 =	vperm.xlane v7, v8  }
0x162: {  	v17 =	vimm.f32 $3.399999950e+38  }
0x163: {  	v14 =	vimm.f32 $0.0e+00;
	v16 =	vimm.s32 $0x0;
	s22 =	simm.s32 $0x10;
	s23 =	simm.s32 $0x10;
	v19 =	vsub.f32 v15, v18  }
.LBB2_31:
0x164: {  	v20 =	vld [tilespmem:s23+$0x0];
	p0 =	sne.s32 s22, $0x7F0;
	s24 =	smov.u32 s22;
	s22 =	sadd.s32 $0x10, s22  }
.Ltmp25:
0x165: {  	v19 =	vmul.f32 v19, v19;
	(pc) =	sbr.rel @p0 .LBB2_31-.Ltmp25, $4  }
0x166: {  	_ = 	snop  }
0x167: {  	v21 =	vor.u32 s21, v0;
	s21 =	smov.u32 s24;
	vm7 =	vlt.f32 v19, v17  }
0x168: {  	v17 =	vsel vm7, v19, v17;
	v14 =	vsel vm7, v15, v14;
	v16 =	vsel vm7, v21, v16  }
0x169: {  	s23 =	sadd.s32 $0x10, s23;
	v19 =	vsub.f32 v20, v18;
	v15 =	vmov v20  }
0x16a: {  	_ = 	snop  }
0x16b: {  	v18 =	vmul.f32 v19, v19;
	_ =	sdelay $0x1  }
0x16c: {  	vm7 =	vlt.f32 v18, v17  }
0x16d: {  	v17 =	vsel vm7, v18, v17  }
0x16e: {  	(xrf0) =	vmin.scan.msk.f32 $0xffff, v17;
	_ =	sdelay $0x5  }
0x16f: {  	v60, _, _ =	vpop (xrf0)  }
0x170: {  	v18 =	vbroadcast v60, $0xF  }
0x171: {  	v61 =	vor.u32 s21, v0  }
0x172: {  	v16 =	vsel vm7, v61, v16;
	vm8 =	veq.f32 v17, v18  }
0x173: {  	v16 =	vnsel vm8, $0x800, v16  }
0x174: {  	v62 =	vxor.u32 $0x80000000, v16  }
0x175: {  	(xrf0) =	vmin.scan.msk.u32 $0xffff, v62;
	_ =	sdelay $0x5  }
0x176: {  	v17, _, _ =	vpop (xrf0)  }
0x177: {  	(v2sf) =	vpush v17, $0xF;
	_ =	sdelay $0x2  }
0x178: {  	vm8 =	vne.s32 v8, v0  }
0x179: {  	vm6 =	vmand vm6, vm8  }
0x17a: {  	v63 =	vmpcnt.ones.xlane vm6;
	_ =	sdelay $0x1  }
0x17b: {  	(v2sf) =	vpush v63, $0x0;
	_ =	sdelay $0x7  }
0x17c: {  	s30 =	spop (v2sf)  }
0x17d: {  	s21 =	sxor.u32 $0x80000000, s30  }
0x17e: {  	v14 =	vsel vm7, v15, v14;
	vm7 =	veq.s32 v16, s21  }
0x17f: {  	v14 =	vnsel vm7, $0xFF7FC99E, v14  }
0x180: {  	(xrf0) =	vmax.scan.msk.f32 $0xffff, v14;
	_ =	sdelay $0x2  }
0x181: {  	s31 =	spop (v2sf)  }
0x182: {  	p0 =	sgt.s32 s31, $0x0  }
.Ltmp26:
0x183: {  	_ = 	snop;
	(pc) =	sbr.rel @p0 .LBB2_30-.Ltmp26, $4  }
.Ltmp27:
0x184: {  	v14, _, _ =	vpop (xrf0);
	(pc) =	sbr.rel @!p0 .LBB2_33-.Ltmp27, $4  }
0x185: {  	v14 =	vbroadcast v14, $0xF  }
0x186: {  	vm7 =	veq.s32 v8, v0  }
0x187: {  	v6 =	vsel vm7, v14, v6  }
0x188: {  	_ = 	snop  }
.LBB2_29:
0x189: {  	v6 =	vpsel p0, v6, v6  }
.LBB2_33:
0x18a: {  	v8 =	vmpcnt.ones.xlane vm5;
	_ =	sdelay $0x1  }
0x18b: {  	(v2sf) =	vpush v8, $0x0;
	_ =	sdelay $0xe  }
0x18c: {  	s21 =	spop (v2sf)  }
0x18d: {  	p0 =	seq.s32 s21, $0x10  }
0x18e: {  	vm5 =	vmneg @!p0 vm5  }
0x18f: {  	v8 =	vmpcnt.ones.xlane @!p0 vm5;
	_ =	sdelay $0x1  }
0x190: {  	(v2sf) =	vpush @!p0 v8, $0x0;
	_ =	sdelay $0xe  }
0x191: {  	s21 =	spop @!p0 (v2sf)  }
0x192: {  	p1 =	slt.s32 @!p0 s21, $0x1  }
0x193: {  	p1 =	por p0, p1  }
.Ltmp28:
0x194: {  	_ = 	snop;
	(pc) =	sbr.rel @p1 .LBB2_34-.Ltmp28, $2  }
0x195: {  	_ =	sdelay $0x2  }
0x196: {  	v8 =	vsel vm4, v2, v1  }
.LBB2_35:
0x197: {  	s21 =	simm.s32 $0x0  }
0x198: {  	v16 =	vld [tilespmem:s21+$0x0]  }
0x199: {  	v14 =	vmctz.xlane vm5;
	_ =	sdelay $0x1  }
0x19a: {  	v19 =	vperm.xlane v9, v14  }
0x19b: {  	v18 =	vimm.f32 $3.399999950e+38  }
0x19c: {  	v15 =	vimm.f32 $0.0e+00;
	v17 =	vimm.s32 $0x0;
	s22 =	simm.s32 $0x10;
	s23 =	simm.s32 $0x10;
	v20 =	vsub.f32 v16, v19  }
.LBB2_36:
0x19d: {  	v21 =	vld [tilespmem:s23+$0x0];
	p0 =	sne.s32 s22, $0x7F0;
	s24 =	smov.u32 s22;
	s22 =	sadd.s32 $0x10, s22  }
.Ltmp29:
0x19e: {  	v20 =	vmul.f32 v20, v20;
	(pc) =	sbr.rel @p0 .LBB2_36-.Ltmp29, $4  }
0x19f: {  	_ = 	snop  }
0x1a0: {  	v22 =	vor.u32 s21, v0;
	s21 =	smov.u32 s24;
	vm4 =	vlt.f32 v20, v18  }
0x1a1: {  	v18 =	vsel vm4, v20, v18;
	v15 =	vsel vm4, v16, v15;
	v17 =	vsel vm4, v22, v17  }
0x1a2: {  	s23 =	sadd.s32 $0x10, s23;
	v20 =	vsub.f32 v21, v19;
	v16 =	vmov v21  }
0x1a3: {  	_ = 	snop  }
0x1a4: {  	v19 =	vmul.f32 v20, v20;
	_ =	sdelay $0x1  }
0x1a5: {  	vm4 =	vlt.f32 v19, v18  }
0x1a6: {  	v18 =	vsel vm4, v19, v18  }
0x1a7: {  	(xrf0) =	vmin.scan.msk.f32 $0xffff, v18;
	_ =	sdelay $0x5  }
0x1a8: {  	v60, _, _ =	vpop (xrf0)  }
0x1a9: {  	v19 =	vbroadcast v60, $0xF  }
0x1aa: {  	v61 =	vor.u32 s21, v0  }
0x1ab: {  	v17 =	vsel vm4, v61, v17;
	vm6 =	veq.f32 v18, v19  }
0x1ac: {  	v17 =	vnsel vm6, $0x800, v17  }
0x1ad: {  	v62 =	vxor.u32 $0x80000000, v17  }
0x1ae: {  	(xrf0) =	vmin.scan.msk.u32 $0xffff, v62;
	_ =	sdelay $0x5  }
0x1af: {  	v18, _, _ =	vpop (xrf0)  }
0x1b0: {  	(v2sf) =	vpush v18, $0xF;
	_ =	sdelay $0x2  }
0x1b1: {  	vm6 =	vne.s32 v14, v0  }
0x1b2: {  	vm5 =	vmand vm5, vm6  }
0x1b3: {  	v63 =	vmpcnt.ones.xlane vm5;
	_ =	sdelay $0x1  }
0x1b4: {  	(v2sf) =	vpush v63, $0x0;
	_ =	sdelay $0x7  }
0x1b5: {  	s30 =	spop (v2sf)  }
0x1b6: {  	s21 =	sxor.u32 $0x80000000, s30  }
0x1b7: {  	v15 =	vsel vm4, v16, v15;
	vm4 =	veq.s32 v17, s21  }
0x1b8: {  	v15 =	vnsel vm4, $0xFF7FC99E, v15  }
0x1b9: {  	(xrf0) =	vmax.scan.msk.f32 $0xffff, v15;
	_ =	sdelay $0x2  }
0x1ba: {  	s31 =	spop (v2sf)  }
0x1bb: {  	p0 =	sgt.s32 s31, $0x0  }
.Ltmp30:
0x1bc: {  	_ = 	snop;
	(pc) =	sbr.rel @p0 .LBB2_35-.Ltmp30, $4  }
.Ltmp31:
0x1bd: {  	v15, _, _ =	vpop (xrf0);
	(pc) =	sbr.rel @!p0 .LBB2_38-.Ltmp31, $4  }
0x1be: {  	v15 =	vbroadcast v15, $0xF  }
0x1bf: {  	vm4 =	veq.s32 v14, v0  }
0x1c0: {  	v8 =	vsel vm4, v15, v8  }
0x1c1: {  	_ = 	snop  }
.LBB2_34:
0x1c2: {  	v8 =	vpsel p0, v8, v8  }
.LBB2_38:
0x1c3: {  	v14 =	vmpcnt.ones.xlane vm3;
	_ =	sdelay $0x1  }
0x1c4: {  	(v2sf) =	vpush v14, $0x0;
	_ =	sdelay $0xe  }
0x1c5: {  	s21 =	spop (v2sf)  }
0x1c6: {  	p0 =	seq.s32 s21, $0x10  }
0x1c7: {  	vm3 =	vmneg @!p0 vm3  }
0x1c8: {  	v14 =	vmpcnt.ones.xlane @!p0 vm3;
	_ =	sdelay $0x1  }
0x1c9: {  	(v2sf) =	vpush @!p0 v14, $0x0;
	_ =	sdelay $0xe  }
0x1ca: {  	s21 =	spop @!p0 (v2sf)  }
0x1cb: {  	p1 =	slt.s32 @!p0 s21, $0x1  }
0x1cc: {  	p1 =	por p0, p1  }
.Ltmp32:
0x1cd: {  	_ = 	snop;
	(pc) =	sbr.rel @p1 .LBB2_39-.Ltmp32, $2  }
0x1ce: {  	_ =	sdelay $0x2  }
0x1cf: {  	v14 =	vsel vm2, v2, v1  }
.LBB2_40:
0x1d0: {  	s21 =	simm.s32 $0x0  }
0x1d1: {  	v17 =	vld [tilespmem:s21+$0x0]  }
0x1d2: {  	v15 =	vmctz.xlane vm3;
	_ =	sdelay $0x1  }
0x1d3: {  	v20 =	vperm.xlane v5, v15  }
0x1d4: {  	v19 =	vimm.f32 $3.399999950e+38  }
0x1d5: {  	v16 =	vimm.f32 $0.0e+00;
	v18 =	vimm.s32 $0x0;
	s22 =	simm.s32 $0x10;
	s23 =	simm.s32 $0x10;
	v21 =	vsub.f32 v17, v20  }
.LBB2_41:
0x1d6: {  	v22 =	vld [tilespmem:s23+$0x0];
	p0 =	sne.s32 s22, $0x7F0;
	s24 =	smov.u32 s22;
	s22 =	sadd.s32 $0x10, s22  }
.Ltmp33:
0x1d7: {  	v21 =	vmul.f32 v21, v21;
	(pc) =	sbr.rel @p0 .LBB2_41-.Ltmp33, $4  }
0x1d8: {  	_ = 	snop  }
0x1d9: {  	v23 =	vor.u32 s21, v0;
	s21 =	smov.u32 s24;
	vm2 =	vlt.f32 v21, v19  }
0x1da: {  	v19 =	vsel vm2, v21, v19;
	v16 =	vsel vm2, v17, v16;
	v18 =	vsel vm2, v23, v18  }
0x1db: {  	s23 =	sadd.s32 $0x10, s23;
	v21 =	vsub.f32 v22, v20;
	v17 =	vmov v22  }
0x1dc: {  	_ = 	snop  }
0x1dd: {  	v20 =	vmul.f32 v21, v21;
	_ =	sdelay $0x1  }
0x1de: {  	vm2 =	vlt.f32 v20, v19  }
0x1df: {  	v19 =	vsel vm2, v20, v19  }
0x1e0: {  	(xrf0) =	vmin.scan.msk.f32 $0xffff, v19;
	_ =	sdelay $0x5  }
0x1e1: {  	v60, _, _ =	vpop (xrf0)  }
0x1e2: {  	v20 =	vbroadcast v60, $0xF  }
0x1e3: {  	v61 =	vor.u32 s21, v0  }
0x1e4: {  	v18 =	vsel vm2, v61, v18;
	vm4 =	veq.f32 v19, v20  }
0x1e5: {  	v18 =	vnsel vm4, $0x800, v18  }
0x1e6: {  	v62 =	vxor.u32 $0x80000000, v18  }
0x1e7: {  	(xrf0) =	vmin.scan.msk.u32 $0xffff, v62;
	_ =	sdelay $0x5  }
0x1e8: {  	v19, _, _ =	vpop (xrf0)  }
0x1e9: {  	(v2sf) =	vpush v19, $0xF;
	_ =	sdelay $0x2  }
0x1ea: {  	vm4 =	vne.s32 v15, v0  }
0x1eb: {  	vm3 =	vmand vm3, vm4  }
0x1ec: {  	v63 =	vmpcnt.ones.xlane vm3;
	_ =	sdelay $0x1  }
0x1ed: {  	(v2sf) =	vpush v63, $0x0;
	_ =	sdelay $0x7  }
0x1ee: {  	s30 =	spop (v2sf)  }
0x1ef: {  	s21 =	sxor.u32 $0x80000000, s30  }
0x1f0: {  	v16 =	vsel vm2, v17, v16;
	vm2 =	veq.s32 v18, s21  }
0x1f1: {  	v16 =	vnsel vm2, $0xFF7FC99E, v16  }
0x1f2: {  	(xrf0) =	vmax.scan.msk.f32 $0xffff, v16;
	_ =	sdelay $0x2  }
0x1f3: {  	s31 =	spop (v2sf)  }
0x1f4: {  	p0 =	sgt.s32 s31, $0x0  }
.Ltmp34:
0x1f5: {  	_ = 	snop;
	(pc) =	sbr.rel @p0 .LBB2_40-.Ltmp34, $4  }
.Ltmp35:
0x1f6: {  	v16, _, _ =	vpop (xrf0);
	(pc) =	sbr.rel @!p0 .LBB2_43-.Ltmp35, $4  }
0x1f7: {  	v16 =	vbroadcast v16, $0xF  }
0x1f8: {  	vm2 =	veq.s32 v15, v0  }
0x1f9: {  	v14 =	vsel vm2, v16, v14  }
0x1fa: {  	_ = 	snop  }
.LBB2_39:
0x1fb: {  	v14 =	vpsel p0, v14, v14  }
.LBB2_43:
0x1fc: {  	v15 =	vmpcnt.ones.xlane vm1;
	_ =	sdelay $0x1  }
0x1fd: {  	(v2sf) =	vpush v15, $0x0;
	_ =	sdelay $0xe  }
0x1fe: {  	s21 =	spop (v2sf)  }
0x1ff: {  	p0 =	seq.s32 s21, $0x10  }
0x200: {  	vm1 =	vmneg @!p0 vm1  }
0x201: {  	v15 =	vmpcnt.ones.xlane @!p0 vm1;
	_ =	sdelay $0x1  }
0x202: {  	(v2sf) =	vpush @!p0 v15, $0x0;
	_ =	sdelay $0xe  }
0x203: {  	s21 =	spop @!p0 (v2sf)  }
0x204: {  	p1 =	slt.s32 @!p0 s21, $0x1  }
0x205: {  	p1 =	por p0, p1  }
.Ltmp36:
0x206: {  	_ = 	snop;
	(pc) =	sbr.rel @p1 .LBB2_44-.Ltmp36, $2  }
0x207: {  	_ =	sdelay $0x2  }
0x208: {  	v15 =	vsel vm0, v2, v1  }
.LBB2_45:
0x209: {  	s21 =	simm.s32 $0x0  }
0x20a: {  	v18 =	vld [tilespmem:s21+$0x0]  }
0x20b: {  	v16 =	vmctz.xlane vm1;
	_ =	sdelay $0x1  }
0x20c: {  	v21 =	vperm.xlane v4, v16  }
0x20d: {  	v20 =	vimm.f32 $3.399999950e+38  }
0x20e: {  	v17 =	vimm.f32 $0.0e+00;
	v19 =	vimm.s32 $0x0;
	s22 =	simm.s32 $0x10;
	s23 =	simm.s32 $0x10;
	v22 =	vsub.f32 v18, v21  }
.LBB2_46:
0x20f: {  	v23 =	vld [tilespmem:s23+$0x0];
	p0 =	sne.s32 s22, $0x7F0;
	s24 =	smov.u32 s22;
	s22 =	sadd.s32 $0x10, s22  }
.Ltmp37:
0x210: {  	v22 =	vmul.f32 v22, v22;
	(pc) =	sbr.rel @p0 .LBB2_46-.Ltmp37, $4  }
0x211: {  	_ = 	snop  }
0x212: {  	v24 =	vor.u32 s21, v0;
	s21 =	smov.u32 s24;
	vm0 =	vlt.f32 v22, v20  }
0x213: {  	v20 =	vsel vm0, v22, v20;
	v17 =	vsel vm0, v18, v17;
	v19 =	vsel vm0, v24, v19  }
0x214: {  	s23 =	sadd.s32 $0x10, s23;
	v22 =	vsub.f32 v23, v21;
	v18 =	vmov v23  }
0x215: {  	_ = 	snop  }
0x216: {  	v21 =	vmul.f32 v22, v22;
	_ =	sdelay $0x1  }
0x217: {  	vm0 =	vlt.f32 v21, v20  }
0x218: {  	v20 =	vsel vm0, v21, v20  }
0x219: {  	(xrf0) =	vmin.scan.msk.f32 $0xffff, v20;
	_ =	sdelay $0x5  }
0x21a: {  	v60, _, _ =	vpop (xrf0)  }
0x21b: {  	v21 =	vbroadcast v60, $0xF  }
0x21c: {  	v61 =	vor.u32 s21, v0  }
0x21d: {  	v19 =	vsel vm0, v61, v19;
	vm2 =	veq.f32 v20, v21  }
0x21e: {  	v19 =	vnsel vm2, $0x800, v19  }
0x21f: {  	v62 =	vxor.u32 $0x80000000, v19  }
0x220: {  	(xrf0) =	vmin.scan.msk.u32 $0xffff, v62;
	_ =	sdelay $0x5  }
0x221: {  	v20, _, _ =	vpop (xrf0)  }
0x222: {  	(v2sf) =	vpush v20, $0xF;
	_ =	sdelay $0x2  }
0x223: {  	vm2 =	vne.s32 v16, v0  }
0x224: {  	vm1 =	vmand vm1, vm2  }
0x225: {  	v63 =	vmpcnt.ones.xlane vm1;
	_ =	sdelay $0x1  }
0x226: {  	(v2sf) =	vpush v63, $0x0;
	_ =	sdelay $0x7  }
0x227: {  	s30 =	spop (v2sf)  }
0x228: {  	s21 =	sxor.u32 $0x80000000, s30  }
0x229: {  	v17 =	vsel vm0, v18, v17;
	vm0 =	veq.s32 v19, s21  }
0x22a: {  	v17 =	vnsel vm0, $0xFF7FC99E, v17  }
0x22b: {  	(xrf0) =	vmax.scan.msk.f32 $0xffff, v17;
	_ =	sdelay $0x2  }
0x22c: {  	s31 =	spop (v2sf)  }
0x22d: {  	p0 =	sgt.s32 s31, $0x0  }
.Ltmp38:
0x22e: {  	_ = 	snop;
	(pc) =	sbr.rel @p0 .LBB2_45-.Ltmp38, $4  }
.Ltmp39:
0x22f: {  	v17, _, _ =	vpop (xrf0);
	(pc) =	sbr.rel @!p0 .LBB2_48-.Ltmp39, $4  }
0x230: {  	v17 =	vbroadcast v17, $0xF  }
0x231: {  	vm0 =	veq.s32 v16, v0  }
0x232: {  	v15 =	vsel vm0, v17, v15  }
0x233: {  	_ = 	snop  }
.LBB2_44:
.Ltmp40:
0x234: {  	(pc) =	sbr.rel .LBB2_48-.Ltmp40, $3  }
0x235: {  	_ =	sdelay $0x1  }
0x236: {  	v6 =	vpsel p0, v6, v6  }
0x237: {  	v8 =	vpsel p0, v8, v8;
	v14 =	vpsel p0, v14, v14;
	v15 =	vpsel p0, v15, v15  }
.LBB2_50:
0x238: {  	_ =	sfence.sel $0x180000  }
0x239: {  	[bflag:$0x0] =	sbarrier.arrive $0xFFFF  }
0x23a: {  	p0 =	sne.s32 s3, $0x0;
	_ =	strace $0x90000047  }
0x23b: {  	s0 =	sadd.s32 @!p0 $0x100000, s0;
	[bflag:$0x2] =	sbarrier.arrive $0xFFFF  }
0x23c: {  	[sflag:s0] =	ssyncadd.tile.s32 @!p0 $0x1;
	_ =	shalt  }
.Lfunc_end2:
_tile_overlayer_lowered:
.L_overlay_start_2:
0x23d: {  	(tag) =	ssettag $0x2  }
0x23e: {  	s0 =	rddreg [dreg:$0x0];
	s2 =	stileid.u32  }
0x23f: {  	s1 =	rddreg [dreg:$0x1];
	p0 =	sne.s32 s2, $0x0  }
0x240: {  	s3 =	rddreg [dreg:$0x2];
	[bflag:$0x3] =	sbarrier.arrive $0xFFFF;
	s2 =	simm.s32 @!p0 $0x1C03  }
0x241: {  	[timem:s3], [sflag:s2] =	dma.local @!p0 [hbm:s0], s1  }
0x242: {  	s0 =	simm.s32 @!p0 $0x3  }
0x243: {  	_ =	swait.ge @!p0 [sflag:s0], s1  }
0x244: {  	s1 =	ssub.s32 @!p0 $0x0, s1;
	[sflag:s0] =	ssyncset.done @!p0 $0x0  }
0x245: {  	[sflag:s0] =	ssyncadd.s32 @!p0 s1  }
0x246: {  	[bflag:$0x3] =	sbarrier.arrive $0xFFFF  }
0x247: {  	_ =	shalt  }

</sc_bundles>
